<compile_context>
chip_gen: v7x
topology: tpu7x:2x2x1
jax: 0.10.2.dev20260603
libtpu: 0.0.44.dev20260713+nightly
codegen_flags: <defaults>
</compile_context>

<pallas_src>
import functools

import jax
import jax.numpy as jnp
from jax import lax
from jax.experimental import pallas as pl
from jax.experimental.pallas import tpu as pltpu
from jax.experimental.pallas import tpu_sc as plsc

_D = 256
_K = 8192
_B = 16
_N = 1024
_M = _B * _N

_BM = 256
_BK = 1024


def _dist_body(x2_ref, e2_ref, x_ref, e_ref, dist_ref, ind_ref):
    xs = x_ref[...] * (-2.0)
    x2 = x2_ref[...]
    iota = lax.broadcasted_iota(jnp.int32, (_BM, _BK), 1).astype(jnp.float32)
    for kk in range(_K // _BK):
        sl = pl.ds(kk * _BK, _BK)
        xy2 = lax.dot_general(
            xs, e_ref[sl, :], (((1,), (1,)), ((), ())),
            preferred_element_type=jnp.float32)
        d2 = jnp.maximum((x2 + e2_ref[:, sl]) + xy2, 1.1754944e-38)
        nd = -(d2 * lax.rsqrt(d2))
        dist_ref[:, sl] = nd
    maxv = None
    argm = None
    for kk in range(_K // _BK):
        nd = dist_ref[:, pl.ds(kk * _BK, _BK)]
        tmax = jnp.max(nd, axis=1, keepdims=True)
        tidx = jnp.min(jnp.where(nd == tmax, iota, jnp.float32(_K)),
                       axis=1, keepdims=True) + jnp.float32(kk * _BK)
        if kk == 0:
            maxv, argm = tmax, tidx
        else:
            upd = tmax > maxv
            maxv = jnp.where(upd, tmax, maxv)
            argm = jnp.where(upd, tidx, argm)
    ind_ref[...] = argm.astype(jnp.int32)


_SC_NC = 2
_SC_NS = 16
_NW = _SC_NC * _SC_NS
_BPW = _M // _NW
_CH = 128


def _gather_quantize(idx, table):
    mesh = plsc.VectorSubcoreMesh(core_axis_name="c", subcore_axis_name="s")

    n_ch = _BPW // _CH

    @functools.partial(
        pl.kernel, mesh=mesh,
        out_type=jax.ShapeDtypeStruct((_M, _D), jnp.float32),
        scratch_types=[
            pltpu.VMEM((_BPW,), jnp.int32),
            pltpu.VMEM((_CH, _D), jnp.float32),
            pltpu.VMEM((_CH, _D), jnp.float32),
            pltpu.SemaphoreType.DMA,
            pltpu.SemaphoreType.DMA,
            pltpu.SemaphoreType.DMA,
            pltpu.SemaphoreType.DMA,
        ],
    )
    def gk(idx_hbm, table_hbm, out_hbm, idx_v, rows0, rows1, g0, g1, s0, s1):
        wid = lax.axis_index("s") * _SC_NC + lax.axis_index("c")
        base = wid * _BPW
        bufs = (rows0, rows1)
        gsem = (g0, g1)
        ssem = (s0, s1)
        pltpu.sync_copy(idx_hbm.at[pl.ds(base, _BPW)], idx_v)
        gath = [None, None]
        stor = [None, None]
        for c in range(n_ch):
            b = c % 2
            if stor[b] is not None:
                stor[b].wait()
            gath[b] = pltpu.async_copy(
                table_hbm.at[idx_v.at[pl.ds(c * _CH, _CH)]], bufs[b], gsem[b])
            if c > 0:
                pb = (c - 1) % 2
                gath[pb].wait()
                stor[pb] = pltpu.async_copy(
                    bufs[pb], out_hbm.at[pl.ds(base + (c - 1) * _CH, _CH)],
                    ssem[pb])
        lb = (n_ch - 1) % 2
        gath[lb].wait()
        stor[lb] = pltpu.async_copy(
            bufs[lb], out_hbm.at[pl.ds(base + (n_ch - 1) * _CH, _CH)],
            ssem[lb])
        stor[(n_ch - 2) % 2].wait()
        stor[lb].wait()

    return gk(idx, table)


def kernel(x, embed):
    xf = x.astype(jnp.float32).reshape(_M, _D)
    e0 = embed[0]
    x2 = jnp.sum(xf ** 2, axis=-1).reshape(_M, 1)
    e2 = jnp.sum(e0 ** 2, axis=-1).reshape(1, _K)

    dist2d, ind2d = pl.pallas_call(
        _dist_body,
        grid=(_M // _BM,),
        in_specs=[
            pl.BlockSpec((_BM, 1), lambda m: (m, 0)),
            pl.BlockSpec((1, _K), lambda m: (0, 0)),
            pl.BlockSpec((_BM, _D), lambda m: (m, 0)),
            pl.BlockSpec((_K, _D), lambda m: (0, 0)),
        ],
        out_specs=[
            pl.BlockSpec((_BM, _K), lambda m: (m, 0)),
            pl.BlockSpec((_BM, 1), lambda m: (m, 0)),
        ],
        out_shape=[
            jax.ShapeDtypeStruct((_M, _K), jnp.float32),
            jax.ShapeDtypeStruct((_M, 1), jnp.int32),
        ],
        compiler_params=pltpu.CompilerParams(
            dimension_semantics=("parallel",)),
    )(x2, e2, xf, e0)

    ind_flat = ind2d.reshape(_M)
    quantize = _gather_quantize(ind_flat, e0).reshape(_B, _N, _D)
    embed_ind = ind_flat.reshape(_B, _N)
    dist = dist2d.reshape(1, _B, _N, _K)
    return quantize, embed_ind, dist

# --- scband reference (transcript-rebuilt; emitter-appended) ---
"""Pipeline reference for scband-euclidean-codebook-1726576854541 (READ-ONLY COPY).

The authoritative reference and input builder live on the scoring server;
editing this copy changes nothing except your own understanding.
"""

import jax, jax.numpy as jnp
import numpy as np
import math

DIM = 256
K = 8192
H = 1
B = 16
N = 1024


def _cdist(x, y):
    # x: [h, i, d], y: [h, j, d]
    x2 = jnp.sum(x ** 2, axis=-1)  # [h, i]
    y2 = jnp.sum(y ** 2, axis=-1)  # [h, j]
    xy = jnp.einsum('hid,hjd->hij', x, y) * -2
    return jnp.sqrt(jnp.clip(x2[:, :, None] + y2[:, None, :] + xy, 0.0, None))


def setup_inputs(seed: int = 0) -> dict:
    key = jax.random.key(seed)
    kx, ke = jax.random.split(key)
    x = jax.random.normal(kx, (B, N, DIM), dtype=jnp.float32)
    # uniform_init uses nn.init.kaiming_uniform_ on a [H, K, DIM] tensor:
    # gain = sqrt(2) (leaky_relu, a=0), fan_in = K * DIM, bound = gain * sqrt(3 / fan_in)
    fan_in = K * DIM
    bound = math.sqrt(2.0) * math.sqrt(3.0 / fan_in)
    embed = jax.random.uniform(ke, (H, K, DIM), dtype=jnp.float32, minval=-bound, maxval=bound)
    return {'x': x, 'embed': embed}


def reference(x, embed):
    # EuclideanCodebook.forward (eval / non-stochastic path):
    # needs_codebook_dim since x.ndim < 4
    x4 = x.astype(jnp.float32)[None, ...]           # [1, B, N, D]
    flatten = x4.reshape(H, -1, x4.shape[-1])        # [h, B*N, D]  (pack 'h * d')
    dist = -_cdist(flatten, embed)                   # [h, B*N, K]
    embed_ind_flat = jnp.argmax(dist, axis=-1)       # [h, B*N] (gumbel_sample with temp=0 -> argmax)
    embed_ind = embed_ind_flat.reshape(H, B, N)      # unpack 'h *'
    # batched_embedding: gather codes
    quantize = jnp.take(embed[0], embed_ind_flat[0], axis=0).reshape(H, B, N, DIM)
    dist = dist.reshape(H, B, N, K)                  # unpack 'h * d'
    # strip codebook dim from quantize and embed_ind (needs_codebook_dim)
    quantize = quantize[0]                           # [B, N, D]
    embed_ind = embed_ind[0]                         # [B, N]
    return quantize, embed_ind, dist

if __name__ == "__main__":
    import jax
    _d = setup_inputs()
    print(jax.jit(kernel)(*tuple(_d.values())))

</pallas_src>

<mosaic_0001>
#map = affine_map<(d0, d1) -> (0)>
#map1 = affine_map<(d0, d1) -> (0, 0)>
module attributes {stable_mosaic.version = 14 : i64} {
  func.func @gk(%arg0: i32, %arg1: i32, %arg2: memref<16384xi32, #tpu.memory_space<hbm>>, %arg3: memref<8192x256xf32, #tpu.memory_space<hbm>>, %arg4: memref<16384x256xf32, #tpu.memory_space<hbm>>, %arg5: memref<512xi32, #tpu.memory_space<vmem>>, %arg6: memref<128x256xf32, #tpu.memory_space<vmem>>, %arg7: memref<128x256xf32, #tpu.memory_space<vmem>>, %arg8: memref<!tpu.dma_semaphore, #tpu.memory_space<semaphore_mem>>, %arg9: memref<!tpu.dma_semaphore, #tpu.memory_space<semaphore_mem>>, %arg10: memref<!tpu.dma_semaphore, #tpu.memory_space<semaphore_mem>>, %arg11: memref<!tpu.dma_semaphore, #tpu.memory_space<semaphore_mem>>) attributes {dimension_semantics = [#tpu.dimension_semantics<core_parallel>, #tpu.dimension_semantics<subcore_parallel>], iteration_bounds = array<i64: 2, 16>, scalar_prefetch = 0 : i64, scratch_operands = 7 : i64, tpu.core_type = #tpu.core_type<sc_vector_subcore>, window_params = [{transform_indices = #map}, {transform_indices = #map1}, {transform_indices = #map1}]} {
    %mul3A = arith.constant 2 : i32
    %mul3A_0 = arith.muli %arg1, %mul3A : i32
    %add3A = arith.addi %mul3A_0, %arg0 : i32
    %mul3A_1 = arith.constant 512 : i32
    %mul3A_2 = arith.muli %add3A, %mul3A_1 : i32
    "tpu.region"() ({
      %run_scoped3A = tpu.sem_alloc : memref<!tpu.dma_semaphore, #tpu.memory_space<semaphore_mem>>
      %dma_start3A_81 = tpu.memref_slice %arg2[%mul3A_2] : memref<16384xi32, #tpu.memory_space<hbm>> -> memref<512xi32, #tpu.memory_space<hbm>>
      %dma_start3A_82 = tpu.memref_slice %arg2[%mul3A_2] : memref<16384xi32, #tpu.memory_space<hbm>> -> memref<512xi32, #tpu.memory_space<hbm>>
      tpu.enqueue_dma source(%dma_start3A_82 : memref<512xi32, #tpu.memory_space<hbm>>) target(%arg5 : memref<512xi32, #tpu.memory_space<vmem>>) target_semaphore(%run_scoped3A : memref<!tpu.dma_semaphore, #tpu.memory_space<semaphore_mem>>)
      %dma_wait3A_83 = tpu.memref_slice %arg2[%mul3A_2] : memref<16384xi32, #tpu.memory_space<hbm>> -> memref<512xi32, #tpu.memory_space<hbm>>
      %dma_wait3A_84 = tpu.memref_slice %arg2[%mul3A_2] : memref<16384xi32, #tpu.memory_space<hbm>> -> memref<512xi32, #tpu.memory_space<hbm>>
      tpu.wait_dma2 semaphore(%run_scoped3A : memref<!tpu.dma_semaphore, #tpu.memory_space<semaphore_mem>>) src(%dma_wait3A_84 : memref<512xi32, #tpu.memory_space<hbm>>) dst(%arg5 : memref<512xi32, #tpu.memory_space<vmem>>)
      tpu.yield
    }) : () -> ()
    %dma_start3A = arith.constant 0 : i32
    %dma_start3A_3 = tpu.memref_slice %arg5[%dma_start3A] : memref<512xi32, #tpu.memory_space<vmem>> -> memref<128xi32, #tpu.memory_space<vmem>>
    %dma_start3A_4 = arith.constant 0 : i32
    %dma_start3A_5 = arith.constant 0 : i32
    %dma_start3A_6 = tpu.memref_slice %arg3[%dma_start3A_4, %dma_start3A_5] : memref<8192x256xf32, #tpu.memory_space<hbm>> -> memref<8192x256xf32, #tpu.memory_space<hbm>>
    tpu.enqueue_indirect_dma source(%dma_start3A_6 : memref<8192x256xf32, #tpu.memory_space<hbm>>) target(%arg6 : memref<128x256xf32, #tpu.memory_space<vmem>>) offsets(%dma_start3A_3 : memref<128xi32, #tpu.memory_space<vmem>>) semaphore(%arg8 : memref<!tpu.dma_semaphore, #tpu.memory_space<semaphore_mem>>)
    %dma_start3A_7 = arith.constant 128 : i32
    %dma_start3A_8 = tpu.memref_slice %arg5[%dma_start3A_7] : memref<512xi32, #tpu.memory_space<vmem>> -> memref<128xi32, #tpu.memory_space<vmem>>
    %dma_start3A_9 = arith.constant 0 : i32
    %dma_start3A_10 = arith.constant 0 : i32
    %dma_start3A_11 = tpu.memref_slice %arg3[%dma_start3A_9, %dma_start3A_10] : memref<8192x256xf32, #tpu.memory_space<hbm>> -> memref<8192x256xf32, #tpu.memory_space<hbm>>
    tpu.enqueue_indirect_dma source(%dma_start3A_11 : memref<8192x256xf32, #tpu.memory_space<hbm>>) target(%arg7 : memref<128x256xf32, #tpu.memory_space<vmem>>) offsets(%dma_start3A_8 : memref<128xi32, #tpu.memory_space<vmem>>) semaphore(%arg9 : memref<!tpu.dma_semaphore, #tpu.memory_space<semaphore_mem>>)
    %dma_wait3A = arith.constant 0 : i32
    %dma_wait3A_12 = tpu.memref_slice %arg5[%dma_wait3A] : memref<512xi32, #tpu.memory_space<vmem>> -> memref<128xi32, #tpu.memory_space<vmem>>
    %dma_wait3A_13 = arith.constant 0 : i32
    %dma_wait3A_14 = arith.constant 0 : i32
    %dma_wait3A_15 = tpu.memref_slice %arg3[%dma_wait3A_13, %dma_wait3A_14] : memref<8192x256xf32, #tpu.memory_space<hbm>> -> memref<8192x256xf32, #tpu.memory_space<hbm>>
    tpu.wait_indirect_dma semaphore(%arg8 : memref<!tpu.dma_semaphore, #tpu.memory_space<semaphore_mem>>) src(%dma_wait3A_15 : memref<8192x256xf32, #tpu.memory_space<hbm>>) dst(%arg6 : memref<128x256xf32, #tpu.memory_space<vmem>>)
    %add3A_16 = arith.constant 0 : i32
    %add3A_17 = arith.addi %mul3A_2, %add3A_16 : i32
    %dma_start3A_18 = arith.constant 0 : i32
    %dma_start3A_19 = tpu.memref_slice %arg4[%add3A_17, %dma_start3A_18] : memref<16384x256xf32, #tpu.memory_space<hbm>> -> memref<128x256xf32, #tpu.memory_space<hbm>>
    %dma_start3A_20 = arith.constant 0 : i32
    %dma_start3A_21 = tpu.memref_slice %arg4[%add3A_17, %dma_start3A_20] : memref<16384x256xf32, #tpu.memory_space<hbm>> -> memref<128x256xf32, #tpu.memory_space<hbm>>
    tpu.enqueue_dma source(%arg6 : memref<128x256xf32, #tpu.memory_space<vmem>>) target(%dma_start3A_21 : memref<128x256xf32, #tpu.memory_space<hbm>>) target_semaphore(%arg10 : memref<!tpu.dma_semaphore, #tpu.memory_space<semaphore_mem>>)
    %dma_wait3A_22 = arith.constant 0 : i32
    %dma_wait3A_23 = tpu.memref_slice %arg4[%add3A_17, %dma_wait3A_22] : memref<16384x256xf32, #tpu.memory_space<hbm>> -> memref<128x256xf32, #tpu.memory_space<hbm>>
    %dma_wait3A_24 = arith.constant 0 : i32
    %dma_wait3A_25 = tpu.memref_slice %arg4[%add3A_17, %dma_wait3A_24] : memref<16384x256xf32, #tpu.memory_space<hbm>> -> memref<128x256xf32, #tpu.memory_space<hbm>>
    tpu.wait_dma2 semaphore(%arg10 : memref<!tpu.dma_semaphore, #tpu.memory_space<semaphore_mem>>) src(%arg6 : memref<128x256xf32, #tpu.memory_space<vmem>>) dst(%dma_wait3A_25 : memref<128x256xf32, #tpu.memory_space<hbm>>)
    %dma_start3A_26 = arith.constant 256 : i32
    %dma_start3A_27 = tpu.memref_slice %arg5[%dma_start3A_26] : memref<512xi32, #tpu.memory_space<vmem>> -> memref<128xi32, #tpu.memory_space<vmem>>
    %dma_start3A_28 = arith.constant 0 : i32
    %dma_start3A_29 = arith.constant 0 : i32
    %dma_start3A_30 = tpu.memref_slice %arg3[%dma_start3A_28, %dma_start3A_29] : memref<8192x256xf32, #tpu.memory_space<hbm>> -> memref<8192x256xf32, #tpu.memory_space<hbm>>
    tpu.enqueue_indirect_dma source(%dma_start3A_30 : memref<8192x256xf32, #tpu.memory_space<hbm>>) target(%arg6 : memref<128x256xf32, #tpu.memory_space<vmem>>) offsets(%dma_start3A_27 : memref<128xi32, #tpu.memory_space<vmem>>) semaphore(%arg8 : memref<!tpu.dma_semaphore, #tpu.memory_space<semaphore_mem>>)
    %dma_wait3A_31 = arith.constant 128 : i32
    %dma_wait3A_32 = tpu.memref_slice %arg5[%dma_wait3A_31] : memref<512xi32, #tpu.memory_space<vmem>> -> memref<128xi32, #tpu.memory_space<vmem>>
    %dma_wait3A_33 = arith.constant 0 : i32
    %dma_wait3A_34 = arith.constant 0 : i32
    %dma_wait3A_35 = tpu.memref_slice %arg3[%dma_wait3A_33, %dma_wait3A_34] : memref<8192x256xf32, #tpu.memory_space<hbm>> -> memref<8192x256xf32, #tpu.memory_space<hbm>>
    tpu.wait_indirect_dma semaphore(%arg9 : memref<!tpu.dma_semaphore, #tpu.memory_space<semaphore_mem>>) src(%dma_wait3A_35 : memref<8192x256xf32, #tpu.memory_space<hbm>>) dst(%arg7 : memref<128x256xf32, #tpu.memory_space<vmem>>)
    %add3A_36 = arith.constant 128 : i32
    %add3A_37 = arith.addi %mul3A_2, %add3A_36 : i32
    %dma_start3A_38 = arith.constant 0 : i32
    %dma_start3A_39 = tpu.memref_slice %arg4[%add3A_37, %dma_start3A_38] : memref<16384x256xf32, #tpu.memory_space<hbm>> -> memref<128x256xf32, #tpu.memory_space<hbm>>
    %dma_start3A_40 = arith.constant 0 : i32
    %dma_start3A_41 = tpu.memref_slice %arg4[%add3A_37, %dma_start3A_40] : memref<16384x256xf32, #tpu.memory_space<hbm>> -> memref<128x256xf32, #tpu.memory_space<hbm>>
    tpu.enqueue_dma source(%arg7 : memref<128x256xf32, #tpu.memory_space<vmem>>) target(%dma_start3A_41 : memref<128x256xf32, #tpu.memory_space<hbm>>) target_semaphore(%arg11 : memref<!tpu.dma_semaphore, #tpu.memory_space<semaphore_mem>>)
    %dma_wait3A_42 = arith.constant 0 : i32
    %dma_wait3A_43 = tpu.memref_slice %arg4[%add3A_37, %dma_wait3A_42] : memref<16384x256xf32, #tpu.memory_space<hbm>> -> memref<128x256xf32, #tpu.memory_space<hbm>>
    %dma_wait3A_44 = arith.constant 0 : i32
    %dma_wait3A_45 = tpu.memref_slice %arg4[%add3A_37, %dma_wait3A_44] : memref<16384x256xf32, #tpu.memory_space<hbm>> -> memref<128x256xf32, #tpu.memory_space<hbm>>
    tpu.wait_dma2 semaphore(%arg11 : memref<!tpu.dma_semaphore, #tpu.memory_space<semaphore_mem>>) src(%arg7 : memref<128x256xf32, #tpu.memory_space<vmem>>) dst(%dma_wait3A_45 : memref<128x256xf32, #tpu.memory_space<hbm>>)
    %dma_start3A_46 = arith.constant 384 : i32
    %dma_start3A_47 = tpu.memref_slice %arg5[%dma_start3A_46] : memref<512xi32, #tpu.memory_space<vmem>> -> memref<128xi32, #tpu.memory_space<vmem>>
    %dma_start3A_48 = arith.constant 0 : i32
    %dma_start3A_49 = arith.constant 0 : i32
    %dma_start3A_50 = tpu.memref_slice %arg3[%dma_start3A_48, %dma_start3A_49] : memref<8192x256xf32, #tpu.memory_space<hbm>> -> memref<8192x256xf32, #tpu.memory_space<hbm>>
    tpu.enqueue_indirect_dma source(%dma_start3A_50 : memref<8192x256xf32, #tpu.memory_space<hbm>>) target(%arg7 : memref<128x256xf32, #tpu.memory_space<vmem>>) offsets(%dma_start3A_47 : memref<128xi32, #tpu.memory_space<vmem>>) semaphore(%arg9 : memref<!tpu.dma_semaphore, #tpu.memory_space<semaphore_mem>>)
    %dma_wait3A_51 = arith.constant 256 : i32
    %dma_wait3A_52 = tpu.memref_slice %arg5[%dma_wait3A_51] : memref<512xi32, #tpu.memory_space<vmem>> -> memref<128xi32, #tpu.memory_space<vmem>>
    %dma_wait3A_53 = arith.constant 0 : i32
    %dma_wait3A_54 = arith.constant 0 : i32
    %dma_wait3A_55 = tpu.memref_slice %arg3[%dma_wait3A_53, %dma_wait3A_54] : memref<8192x256xf32, #tpu.memory_space<hbm>> -> memref<8192x256xf32, #tpu.memory_space<hbm>>
    tpu.wait_indirect_dma semaphore(%arg8 : memref<!tpu.dma_semaphore, #tpu.memory_space<semaphore_mem>>) src(%dma_wait3A_55 : memref<8192x256xf32, #tpu.memory_space<hbm>>) dst(%arg6 : memref<128x256xf32, #tpu.memory_space<vmem>>)
    %add3A_56 = arith.constant 256 : i32
    %add3A_57 = arith.addi %mul3A_2, %add3A_56 : i32
    %dma_start3A_58 = arith.constant 0 : i32
    %dma_start3A_59 = tpu.memref_slice %arg4[%add3A_57, %dma_start3A_58] : memref<16384x256xf32, #tpu.memory_space<hbm>> -> memref<128x256xf32, #tpu.memory_space<hbm>>
    %dma_start3A_60 = arith.constant 0 : i32
    %dma_start3A_61 = tpu.memref_slice %arg4[%add3A_57, %dma_start3A_60] : memref<16384x256xf32, #tpu.memory_space<hbm>> -> memref<128x256xf32, #tpu.memory_space<hbm>>
    tpu.enqueue_dma source(%arg6 : memref<128x256xf32, #tpu.memory_space<vmem>>) target(%dma_start3A_61 : memref<128x256xf32, #tpu.memory_space<hbm>>) target_semaphore(%arg10 : memref<!tpu.dma_semaphore, #tpu.memory_space<semaphore_mem>>)
    %dma_wait3A_62 = arith.constant 384 : i32
    %dma_wait3A_63 = tpu.memref_slice %arg5[%dma_wait3A_62] : memref<512xi32, #tpu.memory_space<vmem>> -> memref<128xi32, #tpu.memory_space<vmem>>
    %dma_wait3A_64 = arith.constant 0 : i32
    %dma_wait3A_65 = arith.constant 0 : i32
    %dma_wait3A_66 = tpu.memref_slice %arg3[%dma_wait3A_64, %dma_wait3A_65] : memref<8192x256xf32, #tpu.memory_space<hbm>> -> memref<8192x256xf32, #tpu.memory_space<hbm>>
    tpu.wait_indirect_dma semaphore(%arg9 : memref<!tpu.dma_semaphore, #tpu.memory_space<semaphore_mem>>) src(%dma_wait3A_66 : memref<8192x256xf32, #tpu.memory_space<hbm>>) dst(%arg7 : memref<128x256xf32, #tpu.memory_space<vmem>>)
    %add3A_67 = arith.constant 384 : i32
    %add3A_68 = arith.addi %mul3A_2, %add3A_67 : i32
    %dma_start3A_69 = arith.constant 0 : i32
    %dma_start3A_70 = tpu.memref_slice %arg4[%add3A_68, %dma_start3A_69] : memref<16384x256xf32, #tpu.memory_space<hbm>> -> memref<128x256xf32, #tpu.memory_space<hbm>>
    %dma_start3A_71 = arith.constant 0 : i32
    %dma_start3A_72 = tpu.memref_slice %arg4[%add3A_68, %dma_start3A_71] : memref<16384x256xf32, #tpu.memory_space<hbm>> -> memref<128x256xf32, #tpu.memory_space<hbm>>
    tpu.enqueue_dma source(%arg7 : memref<128x256xf32, #tpu.memory_space<vmem>>) target(%dma_start3A_72 : memref<128x256xf32, #tpu.memory_space<hbm>>) target_semaphore(%arg11 : memref<!tpu.dma_semaphore, #tpu.memory_space<semaphore_mem>>)
    %dma_wait3A_73 = arith.constant 0 : i32
    %dma_wait3A_74 = tpu.memref_slice %arg4[%add3A_57, %dma_wait3A_73] : memref<16384x256xf32, #tpu.memory_space<hbm>> -> memref<128x256xf32, #tpu.memory_space<hbm>>
    %dma_wait3A_75 = arith.constant 0 : i32
    %dma_wait3A_76 = tpu.memref_slice %arg4[%add3A_57, %dma_wait3A_75] : memref<16384x256xf32, #tpu.memory_space<hbm>> -> memref<128x256xf32, #tpu.memory_space<hbm>>
    tpu.wait_dma2 semaphore(%arg10 : memref<!tpu.dma_semaphore, #tpu.memory_space<semaphore_mem>>) src(%arg6 : memref<128x256xf32, #tpu.memory_space<vmem>>) dst(%dma_wait3A_76 : memref<128x256xf32, #tpu.memory_space<hbm>>)
    %dma_wait3A_77 = arith.constant 0 : i32
    %dma_wait3A_78 = tpu.memref_slice %arg4[%add3A_68, %dma_wait3A_77] : memref<16384x256xf32, #tpu.memory_space<hbm>> -> memref<128x256xf32, #tpu.memory_space<hbm>>
    %dma_wait3A_79 = arith.constant 0 : i32
    %dma_wait3A_80 = tpu.memref_slice %arg4[%add3A_68, %dma_wait3A_79] : memref<16384x256xf32, #tpu.memory_space<hbm>> -> memref<128x256xf32, #tpu.memory_space<hbm>>
    tpu.wait_dma2 semaphore(%arg11 : memref<!tpu.dma_semaphore, #tpu.memory_space<semaphore_mem>>) src(%arg7 : memref<128x256xf32, #tpu.memory_space<vmem>>) dst(%dma_wait3A_80 : memref<128x256xf32, #tpu.memory_space<hbm>>)
    return
  }
}

module attributes {stable_mosaic.version = 14 : i64} {
  func.func @_dist_body(%arg0: i32, %arg1: memref<256x1xf32, #tpu.memory_space<vmem>>, %arg2: memref<1x8192xf32, #tpu.memory_space<vmem>>, %arg3: memref<256x256xf32, #tpu.memory_space<vmem>>, %arg4: memref<8192x256xf32, #tpu.memory_space<vmem>>, %arg5: memref<256x8192xf32, #tpu.memory_space<vmem>>, %arg6: memref<256x1xi32, #tpu.memory_space<vmem>>) attributes {dimension_semantics = [#tpu.dimension_semantics<parallel>], iteration_bounds = array<i64: 64>, scalar_prefetch = 0 : i64, scratch_operands = 0 : i64, tpu.core_type = #tpu.core_type<tc>, window_params = [{transform_indices = @transform_0, window_bounds = array<i64: 256, 1>}, {pipeline_mode = #tpu.pipeline_mode<synchronous>, transform_indices = @transform_1, window_bounds = array<i64: 1, 8192>}, {transform_indices = @transform_2, window_bounds = array<i64: 256, 256>}, {pipeline_mode = #tpu.pipeline_mode<synchronous>, transform_indices = @transform_3, window_bounds = array<i64: 8192, 256>}, {transform_indices = @transform_4, window_bounds = array<i64: 256, 8192>}, {transform_indices = @transform_5, window_bounds = array<i64: 256, 1>}]} {
    %get3A = arith.constant 0 : index
    %get3A_0 = arith.constant 0 : index
    %get3A_1 = vector.load %arg3[%get3A, %get3A_0] : memref<256x256xf32, #tpu.memory_space<vmem>>, vector<256x256xf32>
    %mul3A = arith.constant -2.000000e+00 : f32
    %mul3A_2 = vector.broadcast %mul3A : f32 to vector<256x256xf32>
    %mul3A_3 = arith.mulf %get3A_1, %mul3A_2 : vector<256x256xf32>
    %get3A_4 = arith.constant 0 : index
    %get3A_5 = arith.constant 0 : index
    %get3A_6 = vector.load %arg1[%get3A_4, %get3A_5] : memref<256x1xf32, #tpu.memory_space<vmem>>, vector<256x1xf32>
    %iota3A = tpu.iota {dimensions = array<i32: 1>} : vector<256x1024xi32>
    %convert_element_type3A = arith.sitofp %iota3A : vector<256x1024xi32> to vector<256x1024xf32>
    %get3A_7 = arith.constant 0 : index
    %get3A_8 = arith.constant 0 : index
    %get3A_9 = vector.load %arg4[%get3A_7, %get3A_8] : memref<8192x256xf32, #tpu.memory_space<vmem>>, vector<1024x256xf32>
    %dot_general3A = arith.constant dense<0.000000e+00> : vector<256x1024xf32>
    %dot_general3A_10 = tpu.matmul %mul3A_3, %get3A_9, %dot_general3A {dimension_numbers = #tpu.dot_dimension_numbers<[1], [1], [0], [0], [0, 0, 1, 0], [], []>, transpose_lhs_hint = false} : vector<256x256xf32>, vector<1024x256xf32>, vector<256x1024xf32> -> vector<256x1024xf32>
    %get3A_11 = arith.constant 0 : index
    %get3A_12 = arith.constant 0 : index
    %get3A_13 = vector.load %arg2[%get3A_11, %get3A_12] : memref<1x8192xf32, #tpu.memory_space<vmem>>, vector<1x1024xf32>
    %add3A = vector.broadcast %get3A_6 : vector<256x1xf32> to vector<256x1024xf32>
    %add3A_14 = vector.broadcast %get3A_13 : vector<1x1024xf32> to vector<256x1024xf32>
    %add3A_15 = arith.addf %add3A, %add3A_14 : vector<256x1024xf32>
    %add3A_16 = arith.addf %add3A_15, %dot_general3A_10 : vector<256x1024xf32>
    %max3A = arith.constant 1.17549435E-38 : f32
    %max3A_17 = vector.broadcast %max3A : f32 to vector<256x1024xf32>
    %max3A_18 = arith.maximumf %add3A_16, %max3A_17 : vector<256x1024xf32>
    %rsqrt3A = math.rsqrt %max3A_18 : vector<256x1024xf32>
    %mul3A_19 = arith.mulf %max3A_18, %rsqrt3A : vector<256x1024xf32>
    %neg3A = arith.constant 0.000000e+00 : f32
    %neg3A_20 = vector.broadcast %neg3A : f32 to vector<256x1024xf32>
    %neg3A_21 = arith.subf %neg3A_20, %mul3A_19 : vector<256x1024xf32>
    %swap3A = arith.constant 0 : index
    %swap3A_22 = arith.constant 0 : index
    %swap3A_23 = vector.load %arg5[%swap3A, %swap3A_22] : memref<256x8192xf32, #tpu.memory_space<vmem>>, vector<256x1024xf32>
    tpu.vector_store %arg5[%swap3A, %swap3A_22], %neg3A_21 {strides = array<i32>} : memref<256x8192xf32, #tpu.memory_space<vmem>>, vector<256x1024xf32>,
    %get3A_24 = arith.constant 1024 : index
    %get3A_25 = arith.constant 0 : index
    %get3A_26 = vector.load %arg4[%get3A_24, %get3A_25] : memref<8192x256xf32, #tpu.memory_space<vmem>>, vector<1024x256xf32>
    %dot_general3A_27 = arith.constant dense<0.000000e+00> : vector<256x1024xf32>
    %dot_general3A_28 = tpu.matmul %mul3A_3, %get3A_26, %dot_general3A_27 {dimension_numbers = #tpu.dot_dimension_numbers<[1], [1], [0], [0], [0, 0, 1, 0], [], []>, transpose_lhs_hint = false} : vector<256x256xf32>, vector<1024x256xf32>, vector<256x1024xf32> -> vector<256x1024xf32>
    %get3A_29 = arith.constant 0 : index
    %get3A_30 = arith.constant 1024 : index
    %get3A_31 = vector.load %arg2[%get3A_29, %get3A_30] : memref<1x8192xf32, #tpu.memory_space<vmem>>, vector<1x1024xf32>
    %add3A_32 = vector.broadcast %get3A_6 : vector<256x1xf32> to vector<256x1024xf32>
    %add3A_33 = vector.broadcast %get3A_31 : vector<1x1024xf32> to vector<256x1024xf32>
    %add3A_34 = arith.addf %add3A_32, %add3A_33 : vector<256x1024xf32>
    %add3A_35 = arith.addf %add3A_34, %dot_general3A_28 : vector<256x1024xf32>
    %max3A_36 = arith.constant 1.17549435E-38 : f32
    %max3A_37 = vector.broadcast %max3A_36 : f32 to vector<256x1024xf32>
    %max3A_38 = arith.maximumf %add3A_35, %max3A_37 : vector<256x1024xf32>
    %rsqrt3A_39 = math.rsqrt %max3A_38 : vector<256x1024xf32>
    %mul3A_40 = arith.mulf %max3A_38, %rsqrt3A_39 : vector<256x1024xf32>
    %neg3A_41 = arith.constant 0.000000e+00 : f32
    %neg3A_42 = vector.broadcast %neg3A_41 : f32 to vector<256x1024xf32>
    %neg3A_43 = arith.subf %neg3A_42, %mul3A_40 : vector<256x1024xf32>
    %swap3A_44 = arith.constant 0 : index
    %swap3A_45 = arith.constant 1024 : index
    %swap3A_46 = vector.load %arg5[%swap3A_44, %swap3A_45] : memref<256x8192xf32, #tpu.memory_space<vmem>>, vector<256x1024xf32>
    tpu.vector_store %arg5[%swap3A_44, %swap3A_45], %neg3A_43 {strides = array<i32>} : memref<256x8192xf32, #tpu.memory_space<vmem>>, vector<256x1024xf32>,
    %get3A_47 = arith.constant 2048 : index
    %get3A_48 = arith.constant 0 : index
    %get3A_49 = vector.load %arg4[%get3A_47, %get3A_48] : memref<8192x256xf32, #tpu.memory_space<vmem>>, vector<1024x256xf32>
    %dot_general3A_50 = arith.constant dense<0.000000e+00> : vector<256x1024xf32>
    %dot_general3A_51 = tpu.matmul %mul3A_3, %get3A_49, %dot_general3A_50 {dimension_numbers = #tpu.dot_dimension_numbers<[1], [1], [0], [0], [0, 0, 1, 0], [], []>, transpose_lhs_hint = false} : vector<256x256xf32>, vector<1024x256xf32>, vector<256x1024xf32> -> vector<256x1024xf32>
    %get3A_52 = arith.constant 0 : index
    %get3A_53 = arith.constant 2048 : index
    %get3A_54 = vector.load %arg2[%get3A_52, %get3A_53] : memref<1x8192xf32, #tpu.memory_space<vmem>>, vector<1x1024xf32>
    %add3A_55 = vector.broadcast %get3A_6 : vector<256x1xf32> to vector<256x1024xf32>
    %add3A_56 = vector.broadcast %get3A_54 : vector<1x1024xf32> to vector<256x1024xf32>
    %add3A_57 = arith.addf %add3A_55, %add3A_56 : vector<256x1024xf32>
    %add3A_58 = arith.addf %add3A_57, %dot_general3A_51 : vector<256x1024xf32>
    %max3A_59 = arith.constant 1.17549435E-38 : f32
    %max3A_60 = vector.broadcast %max3A_59 : f32 to vector<256x1024xf32>
    %max3A_61 = arith.maximumf %add3A_58, %max3A_60 : vector<256x1024xf32>
    %rsqrt3A_62 = math.rsqrt %max3A_61 : vector<256x1024xf32>
    %mul3A_63 = arith.mulf %max3A_61, %rsqrt3A_62 : vector<256x1024xf32>
    %neg3A_64 = arith.constant 0.000000e+00 : f32
    %neg3A_65 = vector.broadcast %neg3A_64 : f32 to vector<256x1024xf32>
    %neg3A_66 = arith.subf %neg3A_65, %mul3A_63 : vector<256x1024xf32>
    %swap3A_67 = arith.constant 0 : index
    %swap3A_68 = arith.constant 2048 : index
    %swap3A_69 = vector.load %arg5[%swap3A_67, %swap3A_68] : memref<256x8192xf32, #tpu.memory_space<vmem>>, vector<256x1024xf32>
    tpu.vector_store %arg5[%swap3A_67, %swap3A_68], %neg3A_66 {strides = array<i32>} : memref<256x8192xf32, #tpu.memory_space<vmem>>, vector<256x1024xf32>,
    %get3A_70 = arith.constant 3072 : index
    %get3A_71 = arith.constant 0 : index
    %get3A_72 = vector.load %arg4[%get3A_70, %get3A_71] : memref<8192x256xf32, #tpu.memory_space<vmem>>, vector<1024x256xf32>
    %dot_general3A_73 = arith.constant dense<0.000000e+00> : vector<256x1024xf32>
    %dot_general3A_74 = tpu.matmul %mul3A_3, %get3A_72, %dot_general3A_73 {dimension_numbers = #tpu.dot_dimension_numbers<[1], [1], [0], [0], [0, 0, 1, 0], [], []>, transpose_lhs_hint = false} : vector<256x256xf32>, vector<1024x256xf32>, vector<256x1024xf32> -> vector<256x1024xf32>
    %get3A_75 = arith.constant 0 : index
    %get3A_76 = arith.constant 3072 : index
    %get3A_77 = vector.load %arg2[%get3A_75, %get3A_76] : memref<1x8192xf32, #tpu.memory_space<vmem>>, vector<1x1024xf32>
    %add3A_78 = vector.broadcast %get3A_6 : vector<256x1xf32> to vector<256x1024xf32>
    %add3A_79 = vector.broadcast %get3A_77 : vector<1x1024xf32> to vector<256x1024xf32>
    %add3A_80 = arith.addf %add3A_78, %add3A_79 : vector<256x1024xf32>
    %add3A_81 = arith.addf %add3A_80, %dot_general3A_74 : vector<256x1024xf32>
    %max3A_82 = arith.constant 1.17549435E-38 : f32
    %max3A_83 = vector.broadcast %max3A_82 : f32 to vector<256x1024xf32>
    %max3A_84 = arith.maximumf %add3A_81, %max3A_83 : vector<256x1024xf32>
    %rsqrt3A_85 = math.rsqrt %max3A_84 : vector<256x1024xf32>
    %mul3A_86 = arith.mulf %max3A_84, %rsqrt3A_85 : vector<256x1024xf32>
    %neg3A_87 = arith.constant 0.000000e+00 : f32
    %neg3A_88 = vector.broadcast %neg3A_87 : f32 to vector<256x1024xf32>
    %neg3A_89 = arith.subf %neg3A_88, %mul3A_86 : vector<256x1024xf32>
    %swap3A_90 = arith.constant 0 : index
    %swap3A_91 = arith.constant 3072 : index
    %swap3A_92 = vector.load %arg5[%swap3A_90, %swap3A_91] : memref<256x8192xf32, #tpu.memory_space<vmem>>, vector<256x1024xf32>
    tpu.vector_store %arg5[%swap3A_90, %swap3A_91], %neg3A_89 {strides = array<i32>} : memref<256x8192xf32, #tpu.memory_space<vmem>>, vector<256x1024xf32>,
    %get3A_93 = arith.constant 4096 : index
    %get3A_94 = arith.constant 0 : index
    %get3A_95 = vector.load %arg4[%get3A_93, %get3A_94] : memref<8192x256xf32, #tpu.memory_space<vmem>>, vector<1024x256xf32>
    %dot_general3A_96 = arith.constant dense<0.000000e+00> : vector<256x1024xf32>
    %dot_general3A_97 = tpu.matmul %mul3A_3, %get3A_95, %dot_general3A_96 {dimension_numbers = #tpu.dot_dimension_numbers<[1], [1], [0], [0], [0, 0, 1, 0], [], []>, transpose_lhs_hint = false} : vector<256x256xf32>, vector<1024x256xf32>, vector<256x1024xf32> -> vector<256x1024xf32>
    %get3A_98 = arith.constant 0 : index
    %get3A_99 = arith.constant 4096 : index
    %get3A_100 = vector.load %arg2[%get3A_98, %get3A_99] : memref<1x8192xf32, #tpu.memory_space<vmem>>, vector<1x1024xf32>
    %add3A_101 = vector.broadcast %get3A_6 : vector<256x1xf32> to vector<256x1024xf32>
    %add3A_102 = vector.broadcast %get3A_100 : vector<1x1024xf32> to vector<256x1024xf32>
    %add3A_103 = arith.addf %add3A_101, %add3A_102 : vector<256x1024xf32>
    %add3A_104 = arith.addf %add3A_103, %dot_general3A_97 : vector<256x1024xf32>
    %max3A_105 = arith.constant 1.17549435E-38 : f32
    %max3A_106 = vector.broadcast %max3A_105 : f32 to vector<256x1024xf32>
    %max3A_107 = arith.maximumf %add3A_104, %max3A_106 : vector<256x1024xf32>
    %rsqrt3A_108 = math.rsqrt %max3A_107 : vector<256x1024xf32>
    %mul3A_109 = arith.mulf %max3A_107, %rsqrt3A_108 : vector<256x1024xf32>
    %neg3A_110 = arith.constant 0.000000e+00 : f32
    %neg3A_111 = vector.broadcast %neg3A_110 : f32 to vector<256x1024xf32>
    %neg3A_112 = arith.subf %neg3A_111, %mul3A_109 : vector<256x1024xf32>
    %swap3A_113 = arith.constant 0 : index
    %swap3A_114 = arith.constant 4096 : index
    %swap3A_115 = vector.load %arg5[%swap3A_113, %swap3A_114] : memref<256x8192xf32, #tpu.memory_space<vmem>>, vector<256x1024xf32>
    tpu.vector_store %arg5[%swap3A_113, %swap3A_114], %neg3A_112 {strides = array<i32>} : memref<256x8192xf32, #tpu.memory_space<vmem>>, vector<256x1024xf32>,
    %get3A_116 = arith.constant 5120 : index
    %get3A_117 = arith.constant 0 : index
    %get3A_118 = vector.load %arg4[%get3A_116, %get3A_117] : memref<8192x256xf32, #tpu.memory_space<vmem>>, vector<1024x256xf32>
    %dot_general3A_119 = arith.constant dense<0.000000e+00> : vector<256x1024xf32>
    %dot_general3A_120 = tpu.matmul %mul3A_3, %get3A_118, %dot_general3A_119 {dimension_numbers = #tpu.dot_dimension_numbers<[1], [1], [0], [0], [0, 0, 1, 0], [], []>, transpose_lhs_hint = false} : vector<256x256xf32>, vector<1024x256xf32>, vector<256x1024xf32> -> vector<256x1024xf32>
    %get3A_121 = arith.constant 0 : index
    %get3A_122 = arith.constant 5120 : index
    %get3A_123 = vector.load %arg2[%get3A_121, %get3A_122] : memref<1x8192xf32, #tpu.memory_space<vmem>>, vector<1x1024xf32>
    %add3A_124 = vector.broadcast %get3A_6 : vector<256x1xf32> to vector<256x1024xf32>
    %add3A_125 = vector.broadcast %get3A_123 : vector<1x1024xf32> to vector<256x1024xf32>
    %add3A_126 = arith.addf %add3A_124, %add3A_125 : vector<256x1024xf32>
    %add3A_127 = arith.addf %add3A_126, %dot_general3A_120 : vector<256x1024xf32>
    %max3A_128 = arith.constant 1.17549435E-38 : f32
    %max3A_129 = vector.broadcast %max3A_128 : f32 to vector<256x1024xf32>
    %max3A_130 = arith.maximumf %add3A_127, %max3A_129 : vector<256x1024xf32>
    %rsqrt3A_131 = math.rsqrt %max3A_130 : vector<256x1024xf32>
    %mul3A_132 = arith.mulf %max3A_130, %rsqrt3A_131 : vector<256x1024xf32>
    %neg3A_133 = arith.constant 0.000000e+00 : f32
    %neg3A_134 = vector.broadcast %neg3A_133 : f32 to vector<256x1024xf32>
    %neg3A_135 = arith.subf %neg3A_134, %mul3A_132 : vector<256x1024xf32>
    %swap3A_136 = arith.constant 0 : index
    %swap3A_137 = arith.constant 5120 : index
    %swap3A_138 = vector.load %arg5[%swap3A_136, %swap3A_137] : memref<256x8192xf32, #tpu.memory_space<vmem>>, vector<256x1024xf32>
    tpu.vector_store %arg5[%swap3A_136, %swap3A_137], %neg3A_135 {strides = array<i32>} : memref<256x8192xf32, #tpu.memory_space<vmem>>, vector<256x1024xf32>,
    %get3A_139 = arith.constant 6144 : index
    %get3A_140 = arith.constant 0 : index
    %get3A_141 = vector.load %arg4[%get3A_139, %get3A_140] : memref<8192x256xf32, #tpu.memory_space<vmem>>, vector<1024x256xf32>
    %dot_general3A_142 = arith.constant dense<0.000000e+00> : vector<256x1024xf32>
    %dot_general3A_143 = tpu.matmul %mul3A_3, %get3A_141, %dot_general3A_142 {dimension_numbers = #tpu.dot_dimension_numbers<[1], [1], [0], [0], [0, 0, 1, 0], [], []>, transpose_lhs_hint = false} : vector<256x256xf32>, vector<1024x256xf32>, vector<256x1024xf32> -> vector<256x1024xf32>
    %get3A_144 = arith.constant 0 : index
    %get3A_145 = arith.constant 6144 : index
    %get3A_146 = vector.load %arg2[%get3A_144, %get3A_145] : memref<1x8192xf32, #tpu.memory_space<vmem>>, vector<1x1024xf32>
    %add3A_147 = vector.broadcast %get3A_6 : vector<256x1xf32> to vector<256x1024xf32>
    %add3A_148 = vector.broadcast %get3A_146 : vector<1x1024xf32> to vector<256x1024xf32>
    %add3A_149 = arith.addf %add3A_147, %add3A_148 : vector<256x1024xf32>
    %add3A_150 = arith.addf %add3A_149, %dot_general3A_143 : vector<256x1024xf32>
    %max3A_151 = arith.constant 1.17549435E-38 : f32
    %max3A_152 = vector.broadcast %max3A_151 : f32 to vector<256x1024xf32>
    %max3A_153 = arith.maximumf %add3A_150, %max3A_152 : vector<256x1024xf32>
    %rsqrt3A_154 = math.rsqrt %max3A_153 : vector<256x1024xf32>
    %mul3A_155 = arith.mulf %max3A_153, %rsqrt3A_154 : vector<256x1024xf32>
    %neg3A_156 = arith.constant 0.000000e+00 : f32
    %neg3A_157 = vector.broadcast %neg3A_156 : f32 to vector<256x1024xf32>
    %neg3A_158 = arith.subf %neg3A_157, %mul3A_155 : vector<256x1024xf32>
    %swap3A_159 = arith.constant 0 : index
    %swap3A_160 = arith.constant 6144 : index
    %swap3A_161 = vector.load %arg5[%swap3A_159, %swap3A_160] : memref<256x8192xf32, #tpu.memory_space<vmem>>, vector<256x1024xf32>
    tpu.vector_store %arg5[%swap3A_159, %swap3A_160], %neg3A_158 {strides = array<i32>} : memref<256x8192xf32, #tpu.memory_space<vmem>>, vector<256x1024xf32>,
    %get3A_162 = arith.constant 7168 : index
    %get3A_163 = arith.constant 0 : index
    %get3A_164 = vector.load %arg4[%get3A_162, %get3A_163] : memref<8192x256xf32, #tpu.memory_space<vmem>>, vector<1024x256xf32>
    %dot_general3A_165 = arith.constant dense<0.000000e+00> : vector<256x1024xf32>
    %dot_general3A_166 = tpu.matmul %mul3A_3, %get3A_164, %dot_general3A_165 {dimension_numbers = #tpu.dot_dimension_numbers<[1], [1], [0], [0], [0, 0, 1, 0], [], []>, transpose_lhs_hint = false} : vector<256x256xf32>, vector<1024x256xf32>, vector<256x1024xf32> -> vector<256x1024xf32>
    %get3A_167 = arith.constant 0 : index
    %get3A_168 = arith.constant 7168 : index
    %get3A_169 = vector.load %arg2[%get3A_167, %get3A_168] : memref<1x8192xf32, #tpu.memory_space<vmem>>, vector<1x1024xf32>
    %add3A_170 = vector.broadcast %get3A_6 : vector<256x1xf32> to vector<256x1024xf32>
    %add3A_171 = vector.broadcast %get3A_169 : vector<1x1024xf32> to vector<256x1024xf32>
    %add3A_172 = arith.addf %add3A_170, %add3A_171 : vector<256x1024xf32>
    %add3A_173 = arith.addf %add3A_172, %dot_general3A_166 : vector<256x1024xf32>
    %max3A_174 = arith.constant 1.17549435E-38 : f32
    %max3A_175 = vector.broadcast %max3A_174 : f32 to vector<256x1024xf32>
    %max3A_176 = arith.maximumf %add3A_173, %max3A_175 : vector<256x1024xf32>
    %rsqrt3A_177 = math.rsqrt %max3A_176 : vector<256x1024xf32>
    %mul3A_178 = arith.mulf %max3A_176, %rsqrt3A_177 : vector<256x1024xf32>
    %neg3A_179 = arith.constant 0.000000e+00 : f32
    %neg3A_180 = vector.broadcast %neg3A_179 : f32 to vector<256x1024xf32>
    %neg3A_181 = arith.subf %neg3A_180, %mul3A_178 : vector<256x1024xf32>
    %swap3A_182 = arith.constant 0 : index
    %swap3A_183 = arith.constant 7168 : index
    %swap3A_184 = vector.load %arg5[%swap3A_182, %swap3A_183] : memref<256x8192xf32, #tpu.memory_space<vmem>>, vector<256x1024xf32>
    tpu.vector_store %arg5[%swap3A_182, %swap3A_183], %neg3A_181 {strides = array<i32>} : memref<256x8192xf32, #tpu.memory_space<vmem>>, vector<256x1024xf32>,
    %get3A_185 = arith.constant 0 : index
    %get3A_186 = arith.constant 0 : index
    %get3A_187 = vector.load %arg5[%get3A_185, %get3A_186] : memref<256x8192xf32, #tpu.memory_space<vmem>>, vector<256x1024xf32>
    %reduce_max3A = arith.constant dense<0xFF800000> : vector<256xf32>
    %reduce_max3A_188 = vector.multi_reduction <maximumf>, %get3A_187, %reduce_max3A [1] : vector<256x1024xf32> to vector<256xf32>
    %broadcast_in_dim3A = vector.shape_cast %reduce_max3A_188 : vector<256xf32> to vector<256x1xf32>
    %eq3A = vector.broadcast %broadcast_in_dim3A : vector<256x1xf32> to vector<256x1024xf32>
    %eq3A_189 = arith.cmpf oeq, %get3A_187, %eq3A : vector<256x1024xf32>
    %jit3A = arith.constant 8.192000e+03 : f32
    %broadcast_in_dim3A_190 = vector.broadcast %jit3A : f32 to vector<256x1024xf32>
    %select_n3A = arith.select %eq3A_189, %convert_element_type3A, %broadcast_in_dim3A_190 : vector<256x1024xi1>, vector<256x1024xf32>
    %reduce_min3A = arith.constant dense<0x7F800000> : vector<256xf32>
    %reduce_min3A_191 = vector.multi_reduction <minimumf>, %select_n3A, %reduce_min3A [1] : vector<256x1024xf32> to vector<256xf32>
    %broadcast_in_dim3A_192 = vector.shape_cast %reduce_min3A_191 : vector<256xf32> to vector<256x1xf32>
    %add3A_193 = arith.constant 0.000000e+00 : f32
    %add3A_194 = vector.broadcast %add3A_193 : f32 to vector<256x1xf32>
    %add3A_195 = arith.addf %broadcast_in_dim3A_192, %add3A_194 : vector<256x1xf32>
    %get3A_196 = arith.constant 0 : index
    %get3A_197 = arith.constant 1024 : index
    %get3A_198 = vector.load %arg5[%get3A_196, %get3A_197] : memref<256x8192xf32, #tpu.memory_space<vmem>>, vector<256x1024xf32>
    %reduce_max3A_199 = arith.constant dense<0xFF800000> : vector<256xf32>
    %reduce_max3A_200 = vector.multi_reduction <maximumf>, %get3A_198, %reduce_max3A_199 [1] : vector<256x1024xf32> to vector<256xf32>
    %broadcast_in_dim3A_201 = vector.shape_cast %reduce_max3A_200 : vector<256xf32> to vector<256x1xf32>
    %eq3A_202 = vector.broadcast %broadcast_in_dim3A_201 : vector<256x1xf32> to vector<256x1024xf32>
    %eq3A_203 = arith.cmpf oeq, %get3A_198, %eq3A_202 : vector<256x1024xf32>
    %jit3A_204 = arith.constant 8.192000e+03 : f32
    %broadcast_in_dim3A_205 = vector.broadcast %jit3A_204 : f32 to vector<256x1024xf32>
    %select_n3A_206 = arith.select %eq3A_203, %convert_element_type3A, %broadcast_in_dim3A_205 : vector<256x1024xi1>, vector<256x1024xf32>
    %reduce_min3A_207 = arith.constant dense<0x7F800000> : vector<256xf32>
    %reduce_min3A_208 = vector.multi_reduction <minimumf>, %select_n3A_206, %reduce_min3A_207 [1] : vector<256x1024xf32> to vector<256xf32>
    %broadcast_in_dim3A_209 = vector.shape_cast %reduce_min3A_208 : vector<256xf32> to vector<256x1xf32>
    %add3A_210 = arith.constant 1.024000e+03 : f32
    %add3A_211 = vector.broadcast %add3A_210 : f32 to vector<256x1xf32>
    %add3A_212 = arith.addf %broadcast_in_dim3A_209, %add3A_211 : vector<256x1xf32>
    %gt3A = arith.cmpf ogt, %broadcast_in_dim3A_201, %broadcast_in_dim3A : vector<256x1xf32>
    %select_n3A_213 = arith.select %gt3A, %broadcast_in_dim3A_201, %broadcast_in_dim3A : vector<256x1xi1>, vector<256x1xf32>
    %select_n3A_214 = arith.select %gt3A, %add3A_212, %add3A_195 : vector<256x1xi1>, vector<256x1xf32>
    %get3A_215 = arith.constant 0 : index
    %get3A_216 = arith.constant 2048 : index
    %get3A_217 = vector.load %arg5[%get3A_215, %get3A_216] : memref<256x8192xf32, #tpu.memory_space<vmem>>, vector<256x1024xf32>
    %reduce_max3A_218 = arith.constant dense<0xFF800000> : vector<256xf32>
    %reduce_max3A_219 = vector.multi_reduction <maximumf>, %get3A_217, %reduce_max3A_218 [1] : vector<256x1024xf32> to vector<256xf32>
    %broadcast_in_dim3A_220 = vector.shape_cast %reduce_max3A_219 : vector<256xf32> to vector<256x1xf32>
    %eq3A_221 = vector.broadcast %broadcast_in_dim3A_220 : vector<256x1xf32> to vector<256x1024xf32>
    %eq3A_222 = arith.cmpf oeq, %get3A_217, %eq3A_221 : vector<256x1024xf32>
    %jit3A_223 = arith.constant 8.192000e+03 : f32
    %broadcast_in_dim3A_224 = vector.broadcast %jit3A_223 : f32 to vector<256x1024xf32>
    %select_n3A_225 = arith.select %eq3A_222, %convert_element_type3A, %broadcast_in_dim3A_224 : vector<256x1024xi1>, vector<256x1024xf32>
    %reduce_min3A_226 = arith.constant dense<0x7F800000> : vector<256xf32>
    %reduce_min3A_227 = vector.multi_reduction <minimumf>, %select_n3A_225, %reduce_min3A_226 [1] : vector<256x1024xf32> to vector<256xf32>
    %broadcast_in_dim3A_228 = vector.shape_cast %reduce_min3A_227 : vector<256xf32> to vector<256x1xf32>
    %add3A_229 = arith.constant 2.048000e+03 : f32
    %add3A_230 = vector.broadcast %add3A_229 : f32 to vector<256x1xf32>
    %add3A_231 = arith.addf %broadcast_in_dim3A_228, %add3A_230 : vector<256x1xf32>
    %gt3A_232 = arith.cmpf ogt, %broadcast_in_dim3A_220, %select_n3A_213 : vector<256x1xf32>
    %select_n3A_233 = arith.select %gt3A_232, %broadcast_in_dim3A_220, %select_n3A_213 : vector<256x1xi1>, vector<256x1xf32>
    %select_n3A_234 = arith.select %gt3A_232, %add3A_231, %select_n3A_214 : vector<256x1xi1>, vector<256x1xf32>
    %get3A_235 = arith.constant 0 : index
    %get3A_236 = arith.constant 3072 : index
    %get3A_237 = vector.load %arg5[%get3A_235, %get3A_236] : memref<256x8192xf32, #tpu.memory_space<vmem>>, vector<256x1024xf32>
    %reduce_max3A_238 = arith.constant dense<0xFF800000> : vector<256xf32>
    %reduce_max3A_239 = vector.multi_reduction <maximumf>, %get3A_237, %reduce_max3A_238 [1] : vector<256x1024xf32> to vector<256xf32>
    %broadcast_in_dim3A_240 = vector.shape_cast %reduce_max3A_239 : vector<256xf32> to vector<256x1xf32>
    %eq3A_241 = vector.broadcast %broadcast_in_dim3A_240 : vector<256x1xf32> to vector<256x1024xf32>
    %eq3A_242 = arith.cmpf oeq, %get3A_237, %eq3A_241 : vector<256x1024xf32>
    %jit3A_243 = arith.constant 8.192000e+03 : f32
    %broadcast_in_dim3A_244 = vector.broadcast %jit3A_243 : f32 to vector<256x1024xf32>
    %select_n3A_245 = arith.select %eq3A_242, %convert_element_type3A, %broadcast_in_dim3A_244 : vector<256x1024xi1>, vector<256x1024xf32>
    %reduce_min3A_246 = arith.constant dense<0x7F800000> : vector<256xf32>
    %reduce_min3A_247 = vector.multi_reduction <minimumf>, %select_n3A_245, %reduce_min3A_246 [1] : vector<256x1024xf32> to vector<256xf32>
    %broadcast_in_dim3A_248 = vector.shape_cast %reduce_min3A_247 : vector<256xf32> to vector<256x1xf32>
    %add3A_249 = arith.constant 3.072000e+03 : f32
    %add3A_250 = vector.broadcast %add3A_249 : f32 to vector<256x1xf32>
    %add3A_251 = arith.addf %broadcast_in_dim3A_248, %add3A_250 : vector<256x1xf32>
    %gt3A_252 = arith.cmpf ogt, %broadcast_in_dim3A_240, %select_n3A_233 : vector<256x1xf32>
    %select_n3A_253 = arith.select %gt3A_252, %broadcast_in_dim3A_240, %select_n3A_233 : vector<256x1xi1>, vector<256x1xf32>
    %select_n3A_254 = arith.select %gt3A_252, %add3A_251, %select_n3A_234 : vector<256x1xi1>, vector<256x1xf32>
    %get3A_255 = arith.constant 0 : index
    %get3A_256 = arith.constant 4096 : index
    %get3A_257 = vector.load %arg5[%get3A_255, %get3A_256] : memref<256x8192xf32, #tpu.memory_space<vmem>>, vector<256x1024xf32>
    %reduce_max3A_258 = arith.constant dense<0xFF800000> : vector<256xf32>
    %reduce_max3A_259 = vector.multi_reduction <maximumf>, %get3A_257, %reduce_max3A_258 [1] : vector<256x1024xf32> to vector<256xf32>
    %broadcast_in_dim3A_260 = vector.shape_cast %reduce_max3A_259 : vector<256xf32> to vector<256x1xf32>
    %eq3A_261 = vector.broadcast %broadcast_in_dim3A_260 : vector<256x1xf32> to vector<256x1024xf32>
    %eq3A_262 = arith.cmpf oeq, %get3A_257, %eq3A_261 : vector<256x1024xf32>
    %jit3A_263 = arith.constant 8.192000e+03 : f32
    %broadcast_in_dim3A_264 = vector.broadcast %jit3A_263 : f32 to vector<256x1024xf32>
    %select_n3A_265 = arith.select %eq3A_262, %convert_element_type3A, %broadcast_in_dim3A_264 : vector<256x1024xi1>, vector<256x1024xf32>
    %reduce_min3A_266 = arith.constant dense<0x7F800000> : vector<256xf32>
    %reduce_min3A_267 = vector.multi_reduction <minimumf>, %select_n3A_265, %reduce_min3A_266 [1] : vector<256x1024xf32> to vector<256xf32>
    %broadcast_in_dim3A_268 = vector.shape_cast %reduce_min3A_267 : vector<256xf32> to vector<256x1xf32>
    %add3A_269 = arith.constant 4.096000e+03 : f32
    %add3A_270 = vector.broadcast %add3A_269 : f32 to vector<256x1xf32>
    %add3A_271 = arith.addf %broadcast_in_dim3A_268, %add3A_270 : vector<256x1xf32>
    %gt3A_272 = arith.cmpf ogt, %broadcast_in_dim3A_260, %select_n3A_253 : vector<256x1xf32>
    %select_n3A_273 = arith.select %gt3A_272, %broadcast_in_dim3A_260, %select_n3A_253 : vector<256x1xi1>, vector<256x1xf32>
    %select_n3A_274 = arith.select %gt3A_272, %add3A_271, %select_n3A_254 : vector<256x1xi1>, vector<256x1xf32>
    %get3A_275 = arith.constant 0 : index
    %get3A_276 = arith.constant 5120 : index
    %get3A_277 = vector.load %arg5[%get3A_275, %get3A_276] : memref<256x8192xf32, #tpu.memory_space<vmem>>, vector<256x1024xf32>
    %reduce_max3A_278 = arith.constant dense<0xFF800000> : vector<256xf32>
    %reduce_max3A_279 = vector.multi_reduction <maximumf>, %get3A_277, %reduce_max3A_278 [1] : vector<256x1024xf32> to vector<256xf32>
    %broadcast_in_dim3A_280 = vector.shape_cast %reduce_max3A_279 : vector<256xf32> to vector<256x1xf32>
    %eq3A_281 = vector.broadcast %broadcast_in_dim3A_280 : vector<256x1xf32> to vector<256x1024xf32>
    %eq3A_282 = arith.cmpf oeq, %get3A_277, %eq3A_281 : vector<256x1024xf32>
    %jit3A_283 = arith.constant 8.192000e+03 : f32
    %broadcast_in_dim3A_284 = vector.broadcast %jit3A_283 : f32 to vector<256x1024xf32>
    %select_n3A_285 = arith.select %eq3A_282, %convert_element_type3A, %broadcast_in_dim3A_284 : vector<256x1024xi1>, vector<256x1024xf32>
    %reduce_min3A_286 = arith.constant dense<0x7F800000> : vector<256xf32>
    %reduce_min3A_287 = vector.multi_reduction <minimumf>, %select_n3A_285, %reduce_min3A_286 [1] : vector<256x1024xf32> to vector<256xf32>
    %broadcast_in_dim3A_288 = vector.shape_cast %reduce_min3A_287 : vector<256xf32> to vector<256x1xf32>
    %add3A_289 = arith.constant 5.120000e+03 : f32
    %add3A_290 = vector.broadcast %add3A_289 : f32 to vector<256x1xf32>
    %add3A_291 = arith.addf %broadcast_in_dim3A_288, %add3A_290 : vector<256x1xf32>
    %gt3A_292 = arith.cmpf ogt, %broadcast_in_dim3A_280, %select_n3A_273 : vector<256x1xf32>
    %select_n3A_293 = arith.select %gt3A_292, %broadcast_in_dim3A_280, %select_n3A_273 : vector<256x1xi1>, vector<256x1xf32>
    %select_n3A_294 = arith.select %gt3A_292, %add3A_291, %select_n3A_274 : vector<256x1xi1>, vector<256x1xf32>
    %get3A_295 = arith.constant 0 : index
    %get3A_296 = arith.constant 6144 : index
    %get3A_297 = vector.load %arg5[%get3A_295, %get3A_296] : memref<256x8192xf32, #tpu.memory_space<vmem>>, vector<256x1024xf32>
    %reduce_max3A_298 = arith.constant dense<0xFF800000> : vector<256xf32>
    %reduce_max3A_299 = vector.multi_reduction <maximumf>, %get3A_297, %reduce_max3A_298 [1] : vector<256x1024xf32> to vector<256xf32>
    %broadcast_in_dim3A_300 = vector.shape_cast %reduce_max3A_299 : vector<256xf32> to vector<256x1xf32>
    %eq3A_301 = vector.broadcast %broadcast_in_dim3A_300 : vector<256x1xf32> to vector<256x1024xf32>
    %eq3A_302 = arith.cmpf oeq, %get3A_297, %eq3A_301 : vector<256x1024xf32>
    %jit3A_303 = arith.constant 8.192000e+03 : f32
    %broadcast_in_dim3A_304 = vector.broadcast %jit3A_303 : f32 to vector<256x1024xf32>
    %select_n3A_305 = arith.select %eq3A_302, %convert_element_type3A, %broadcast_in_dim3A_304 : vector<256x1024xi1>, vector<256x1024xf32>
    %reduce_min3A_306 = arith.constant dense<0x7F800000> : vector<256xf32>
    %reduce_min3A_307 = vector.multi_reduction <minimumf>, %select_n3A_305, %reduce_min3A_306 [1] : vector<256x1024xf32> to vector<256xf32>
    %broadcast_in_dim3A_308 = vector.shape_cast %reduce_min3A_307 : vector<256xf32> to vector<256x1xf32>
    %add3A_309 = arith.constant 6.144000e+03 : f32
    %add3A_310 = vector.broadcast %add3A_309 : f32 to vector<256x1xf32>
    %add3A_311 = arith.addf %broadcast_in_dim3A_308, %add3A_310 : vector<256x1xf32>
    %gt3A_312 = arith.cmpf ogt, %broadcast_in_dim3A_300, %select_n3A_293 : vector<256x1xf32>
    %select_n3A_313 = arith.select %gt3A_312, %broadcast_in_dim3A_300, %select_n3A_293 : vector<256x1xi1>, vector<256x1xf32>
    %select_n3A_314 = arith.select %gt3A_312, %add3A_311, %select_n3A_294 : vector<256x1xi1>, vector<256x1xf32>
    %get3A_315 = arith.constant 0 : index
    %get3A_316 = arith.constant 7168 : index
    %get3A_317 = vector.load %arg5[%get3A_315, %get3A_316] : memref<256x8192xf32, #tpu.memory_space<vmem>>, vector<256x1024xf32>
    %reduce_max3A_318 = arith.constant dense<0xFF800000> : vector<256xf32>
    %reduce_max3A_319 = vector.multi_reduction <maximumf>, %get3A_317, %reduce_max3A_318 [1] : vector<256x1024xf32> to vector<256xf32>
    %broadcast_in_dim3A_320 = vector.shape_cast %reduce_max3A_319 : vector<256xf32> to vector<256x1xf32>
    %eq3A_321 = vector.broadcast %broadcast_in_dim3A_320 : vector<256x1xf32> to vector<256x1024xf32>
    %eq3A_322 = arith.cmpf oeq, %get3A_317, %eq3A_321 : vector<256x1024xf32>
    %jit3A_323 = arith.constant 8.192000e+03 : f32
    %broadcast_in_dim3A_324 = vector.broadcast %jit3A_323 : f32 to vector<256x1024xf32>
    %select_n3A_325 = arith.select %eq3A_322, %convert_element_type3A, %broadcast_in_dim3A_324 : vector<256x1024xi1>, vector<256x1024xf32>
    %reduce_min3A_326 = arith.constant dense<0x7F800000> : vector<256xf32>
    %reduce_min3A_327 = vector.multi_reduction <minimumf>, %select_n3A_325, %reduce_min3A_326 [1] : vector<256x1024xf32> to vector<256xf32>
    %broadcast_in_dim3A_328 = vector.shape_cast %reduce_min3A_327 : vector<256xf32> to vector<256x1xf32>
    %add3A_329 = arith.constant 7.168000e+03 : f32
    %add3A_330 = vector.broadcast %add3A_329 : f32 to vector<256x1xf32>
    %add3A_331 = arith.addf %broadcast_in_dim3A_328, %add3A_330 : vector<256x1xf32>
    %gt3A_332 = arith.cmpf ogt, %broadcast_in_dim3A_320, %select_n3A_313 : vector<256x1xf32>
    %select_n3A_333 = arith.select %gt3A_332, %add3A_331, %select_n3A_314 : vector<256x1xi1>, vector<256x1xf32>
    %convert_element_type3A_334 = arith.fptosi %select_n3A_333 : vector<256x1xf32> to vector<256x1xi32>
    %swap3A_335 = arith.constant 0 : index
    %swap3A_336 = arith.constant 0 : index
    %swap3A_337 = vector.load %arg6[%swap3A_335, %swap3A_336] : memref<256x1xi32, #tpu.memory_space<vmem>>, vector<256x1xi32>
    tpu.vector_store %arg6[%swap3A_335, %swap3A_336], %convert_element_type3A_334 {strides = array<i32>} : memref<256x1xi32, #tpu.memory_space<vmem>>, vector<256x1xi32>,
    return
  }
  func.func @transform_0(%arg0: i32) -> (i32, i32) {
    %c0_i32 = arith.constant 0 : i32
    %c0_i32_0 = arith.constant 0 : i32
    return %arg0, %c0_i32 : i32, i32
  }
  func.func @transform_1(%arg0: i32) -> (i32, i32) {
    %c0_i32 = arith.constant 0 : i32
    %c0_i32_0 = arith.constant 0 : i32
    %c0_i32_1 = arith.constant 0 : i32
    return %c0_i32, %c0_i32_0 : i32, i32
  }
  func.func @transform_2(%arg0: i32) -> (i32, i32) {
    %c0_i32 = arith.constant 0 : i32
    %c0_i32_0 = arith.constant 0 : i32
    return %arg0, %c0_i32 : i32, i32
  }
  func.func @transform_3(%arg0: i32) -> (i32, i32) {
    %c0_i32 = arith.constant 0 : i32
    %c0_i32_0 = arith.constant 0 : i32
    %c0_i32_1 = arith.constant 0 : i32
    return %c0_i32, %c0_i32_0 : i32, i32
  }
  func.func @transform_4(%arg0: i32) -> (i32, i32) {
    %c0_i32 = arith.constant 0 : i32
    %c0_i32_0 = arith.constant 0 : i32
    return %arg0, %c0_i32 : i32, i32
  }
  func.func @transform_5(%arg0: i32) -> (i32, i32) {
    %c0_i32 = arith.constant 0 : i32
    %c0_i32_0 = arith.constant 0 : i32
    return %arg0, %c0_i32 : i32, i32
  }
}

</mosaic_0001>

<sc_bundles>
// kernel: kernel.4.cloned.1.call-start
scs
__scs_entry_jumppad:
0x0: {  	(pc) =	sbr.rel $0x88, $3  }
0x1: {  	(tag) =	ssettag $0x0;
	lr =	simm.s32 $0x1  }
0x2: {  	[smem:$0x3F9F] =	sst lr;
	_ =	strace $0xD0000000  }
0x3: {  	_ = 	snop  }
0x4: {  	_ = 	snop  }
0x5: {  	_ = 	snop  }
0x6: {  	_ = 	snop  }
0x7: {  	_ = 	snop  }
__scs_overlays_trampoline_lowered:
0x8: {  	[smem:$0x3FAE] =	sst s0  }
0x9: {  	[smem:$0x3FAF] =	sst s1  }
0xa: {  	[smem:$0x3FB0] =	sst s2  }
0xb: {  	[smem:$0x3FB1] =	sst s3  }
0xc: {  	[smem:$0x3FB2] =	sst s4  }
0xd: {  	[smem:$0x3FB3] =	sst s5  }
0xe: {  	[smem:$0x3FB4] =	sst s6  }
0xf: {  	[smem:$0x3FB5] =	sst s7  }
0x10: {  	[smem:$0x3FB6] =	sst s8  }
0x11: {  	[smem:$0x3FB7] =	sst s9;
	s0 =	simm.s32 @!p0 $0x0  }
0x12: {  	s1 =	sld [smem:$0x3F9D];
	s0 =	simm.s32 @p0 $0x1  }
0x13: {  	[smem:$0x3FB8] =	sst s0;
	s0 =	simm.s32 @!p1 $0x0  }
0x14: {  	s2 =	sld [smem:$0x3F9C];
	s0 =	simm.s32 @p1 $0x1  }
0x15: {  	[smem:$0x3FB9] =	sst s0;
	s0 =	simm.s32 @!p2 $0x0  }
0x16: {  	s3 =	sld [smem:$0x3FDB];
	s0 =	simm.s32 @p2 $0x1  }
0x17: {  	s4 =	simm.s32 $0x1BF5;
	[smem:$0x3FBB] =	sst s0  }
0x18: {  	s0 =	sld [smem:$0x3F9E];
	_ =	swait.ge [sflag:s4], $0x0  }
0x19: {  	s7 =	sld [smem:$0x3F9F]  }
0x1a: {  	s8 =	sadd.s32 $0xFFFFE003, lr  }
0x1b: {  	s9 =	sadd.s32 $0xFFFFFEF7, lr;
	s5 =	simm.s32 $0xFFFFFFFF;
	p2 =	slt.u32 s8, $0xFFFFF086  }
0x1c: {  	p1 =	slt.u32 s9, $0xF7A;
	s5 =	simm.s32 @!p2 $0x0  }
0x1d: {  	s5 =	simm.s32 @p1 $0x1;
	p0 =	seq.s32 s7, s2  }
0x1e: {  	s7 =	smul.u32 @!p0 $0xF7A, s2;
	p2 =	seq.s32 @!p0 s5, $0x0  }
0x1f: {  	s9 =	smul.u32 $0xF7A, s1;
	s8 =	simm.s32 @!p0 $0x1BF5;
	p2 =	por !p2, p0  }
0x20: {  	[sflag:s8] =	ssyncset.s32 @!p0 $0xFFFFF086;
	s6 =	sadd.s32 @!p0 s3, s7;
	s7 =	simm.s32 @!p0 $0x108  }
0x21: {  	s3 =	sadd.s32 s3, s9;
	s6 =	sadd.s32 @!p0 $0x88, s6;
	s7 =	simm.s32 @p2 $0x1082  }
0x22: {  	[simem:s7], [sflag:s8] =	dma.local @!p0 [hbm:s6], $0xF7A  }
0x23: {  	s9 =	sor.u32 $0xD0000000, s2;
	s6 =	simm.s32 $0x108;
	_ =	swait.ge @!p0 [sflag:s8], $0x0  }
0x24: {  	s3 =	sadd.s32 $0x88, s3;
	s6 =	simm.s32 @!p1 $0x1082;
	[sflag:s4] =	ssyncset.s32 $0xFFFFF086  }
0x25: {  	[simem:s6], [sflag:s4] =	dma.local [hbm:s3], $0xF7A  }
0x26: {  	[smem:$0x3F9F] =	sst s1;
	(tag) =	ssettag s2;
	_ =	strace s9  }
0x27: {  	s1 =	sld [smem:$0x3FAF]  }
0x28: {  	s2 =	sld [smem:$0x3FB0]  }
0x29: {  	s4 =	sld [smem:$0x3FB2]  }
0x2a: {  	p0 =	seq.s32 s5, $0x0;
	s5 =	sld [smem:$0x3FB3]  }
0x2b: {  	s6 =	sld [smem:$0x3FB4]  }
0x2c: {  	s7 =	sld [smem:$0x3FB5]  }
0x2d: {  	s3 =	simm.s32 $0x108;
	s8 =	sld [smem:$0x3FB6]  }
0x2e: {  	s3 =	simm.s32 @!p0 $0x1082;
	s9 =	sld [smem:$0x3FB7]  }
0x2f: {  	lr =	sadd.s32 s0, s3;
	s0 =	sld [smem:$0x3FAE]  }
0x30: {  	s3 =	sld [smem:$0x3FB1]  }
0x31: {  	[smem:$0x3FBA] =	sst s10  }
0x32: {  	s10 =	sld [smem:$0x3FB8];
	_ =	sdelay $0x3  }
0x33: {  	p0 =	seq.s32 s10, $0x1;
	s10 =	sld [smem:$0x3FBA];
	_ =	sdelay $0x3  }
0x34: {  	[smem:$0x3FBA] =	sst s10  }
0x35: {  	s10 =	sld [smem:$0x3FB9];
	_ =	sdelay $0x3  }
0x36: {  	p1 =	seq.s32 s10, $0x1;
	s10 =	sld [smem:$0x3FBA];
	_ =	sdelay $0x3  }
0x37: {  	[smem:$0x3FBA] =	sst s10  }
0x38: {  	s10 =	sld [smem:$0x3FBB]  }
0x39: {  	_ = 	snop;
	(pc) =	sbr.ind lr, $3  }
0x3a: {  	_ = 	snop  }
0x3b: {  	_ = 	snop  }
0x3c: {  	p2 =	seq.s32 s10, $0x1;
	s10 =	sld [smem:$0x3FBA]  }
0x3d: {  	_ =	shalt  }
0x3e: {  	_ =	shalt  }
0x3f: {  	_ =	shalt  }
0x40: {  	_ =	shalt  }
0x41: {  	_ =	shalt  }
0x42: {  	_ =	shalt  }
0x43: {  	_ =	shalt  }
0x44: {  	_ =	shalt  }
0x45: {  	_ =	shalt  }
0x46: {  	_ =	shalt  }
0x47: {  	_ =	shalt  }
0x48: {  	_ =	shalt  }
0x49: {  	_ =	shalt  }
0x4a: {  	_ =	shalt  }
0x4b: {  	_ =	shalt  }
0x4c: {  	_ =	shalt  }
0x4d: {  	_ =	shalt  }
0x4e: {  	_ =	shalt  }
0x4f: {  	_ =	shalt  }
0x50: {  	_ =	shalt  }
0x51: {  	_ =	shalt  }
0x52: {  	_ =	shalt  }
0x53: {  	_ =	shalt  }
0x54: {  	_ =	shalt  }
0x55: {  	_ =	shalt  }
0x56: {  	_ =	shalt  }
0x57: {  	_ =	shalt  }
0x58: {  	_ =	shalt  }
0x59: {  	_ =	shalt  }
0x5a: {  	_ =	shalt  }
0x5b: {  	_ =	shalt  }
0x5c: {  	_ =	shalt  }
0x5d: {  	_ =	shalt  }
0x5e: {  	_ =	shalt  }
0x5f: {  	_ =	shalt  }
0x60: {  	_ =	shalt  }
0x61: {  	_ =	shalt  }
0x62: {  	_ =	shalt  }
0x63: {  	_ =	shalt  }
0x64: {  	_ =	shalt  }
0x65: {  	_ =	shalt  }
0x66: {  	_ =	shalt  }
0x67: {  	_ =	shalt  }
0x68: {  	_ =	shalt  }
0x69: {  	_ =	shalt  }
0x6a: {  	_ =	shalt  }
0x6b: {  	_ =	shalt  }
0x6c: {  	_ =	shalt  }
0x6d: {  	_ =	shalt  }
0x6e: {  	_ =	shalt  }
0x6f: {  	_ =	shalt  }
0x70: {  	_ =	shalt  }
0x71: {  	_ =	shalt  }
0x72: {  	_ =	shalt  }
0x73: {  	_ =	shalt  }
0x74: {  	_ =	shalt  }
0x75: {  	_ =	shalt  }
0x76: {  	_ =	shalt  }
0x77: {  	_ =	shalt  }
0x78: {  	_ =	shalt  }
0x79: {  	_ =	shalt  }
0x7a: {  	_ =	shalt  }
0x7b: {  	_ =	shalt  }
0x7c: {  	_ =	shalt  }
0x7d: {  	_ =	shalt  }
0x7e: {  	_ =	shalt  }
0x7f: {  	_ =	shalt  }
0x80: {  	_ =	shalt  }
0x81: {  	_ =	shalt  }
0x82: {  	_ =	shalt  }
0x83: {  	_ =	shalt  }
0x84: {  	_ =	shalt  }
0x85: {  	_ =	shalt  }
0x86: {  	_ =	shalt  }
0x87: {  	_ =	shalt  }
.Lfunc_end0:
.L_simem_size_0:
called_computation_lowered:
.L_overlay_start_0:
0x88: {  	s2 =	sld [smem:$0x3FD9]  }
0x89: {  	s3 =	sld [smem:$0x3FFE];
	_ =	sdelay $0x1  }
0x8a: {  	s1 =	srdreg.scid  }
0x8b: {  	s0 =	sand.u32 $0x1, s1  }
0x8c: {  	s14 =	sshll.u32 s0, $0xA;
	s2 =	sadd.s32 s3, s2  }
0x8d: {  	s2 =	sadd.s32 s2, s14  }
0x8e: {  	[smem:$0x3FC6] =	sst s2  }
0x8f: {  	_ = 	snop  }
0x90: {  	s2 =	sld [smem:$0x3FD0];
	_ =	sdelay $0x2  }
0x91: {  	s4 =	simm.s32 $0xA;
	s5 =	simm.s32 $0x10;
	s15 =	sld [smem:$0x3FC8]  }
0x92: {  	[smem:s5], [sflag:s4] =	dma.local [hbm:s2], $0x1  }
0x93: {  	_ =	swait.eq [sflag:s4], $0x1  }
0x94: {  	[sflag:s4] =	ssyncset.done $0x0  }
0x95: {  	[sflag:s4] =	ssyncadd.s32 $0xFFFFFFFF  }
0x96: {  	s16 =	sld [smem:$0x10];
	(tm) =	ssettm $0x1  }
0x97: {  	s17 =	sld [smem:$0x3FFB];
	_ =	sdelay $0x3  }
0x98: {  	_ =	strace s17  }
0x99: {  	s4 =	sld [smem:$0x3FFC];
	_ =	sdelay $0x3  }
0x9a: {  	_ =	strace s4  }
0x9b: {  	s4 =	sld [smem:$0x3FFD];
	_ =	sdelay $0x3  }
0x9c: {  	_ =	strace s4  }
0x9d: {  	_ =	strace $0x8FFFFFFF  }
0x9e: {  	s18 =	sld [smem:$0x3FDB];
	_ =	sdelay $0x1  }
0x9f: {  	s19 =	simm.s32 $_scs_section_size  }
0xa0: {  	s6 =	simm.s32 $_size__tile_overlayer_lowered;
	s7 =	simm.s32 $_tile_overlayer_lowered  }
0xa1: {  	s22 =	simm.s32 $0x1BFF;
	s21 =	sshll.u32 s7, $0x1;
	s4 =	sadd.s32 s19, s18  }
0xa2: {  	s8 =	simm.s32 $0x0;
	s20 =	sshll.u32 s6, $0x1;
	s6 =	sadd.s32 s21, s4  }
0xa3: {  	[timem:s8], [sflag:s22] =	dma.local [hbm:s6], s20  }
0xa4: {  	_ =	swait.ge [sflag:s22], s20  }
0xa5: {  	s5 =	ssub.s32 $0x0, s20;
	[sflag:s22] =	ssyncset.done $0x0  }
0xa6: {  	[sflag:s22] =	ssyncadd.s32 s5;
	_ =	sdelay $0x1  }
0xa7: {  	s23 =	simm.s32 $0x1B8B  }
0xa8: {  	_ =	swait.ge [sflag:s23], $0x1  }
0xa9: {  	[sflag:s23] =	ssyncset.done $0x0  }
0xaa: {  	s25 =	simm.s32 $0x1B8E;
	s24 =	sld [smem:$0x3FFE];
	[sflag:s23] =	ssyncadd.s32 $0xFFFFFFFF  }
0xab: {  	s26 =	simm.s32 $execute0_lowered;
	[smem:$0x3FD2] =	sst s25  }
0xac: {  	s6 =	sshll.u32 s26, $0x1;
	_ =	strace $0x80000046;
	[dreg:$0x1] =	wrdreg $0xFFFFFFFF  }
0xad: {  	s28 =	simm.s32 $_size_execute0_lowered;
	s4 =	sadd.s32 s4, s6;
	[dreg:$0x0] =	wrdreg $0x0  }
0xae: {  	s6 =	sshll.u32 s28, $0x1;
	[dreg:$0x2] =	wrdreg s4  }
0xaf: {  	[dreg:$0x3] =	wrdreg s6  }
0xb0: {  	[dreg:$0x4] =	wrdreg $0xC0  }
0xb1: {  	_ =	task [dreg:s8], $0x5FFFF  }
0xb2: {  	[dreg:$0x1] =	wrdreg $0xFFFFFFFF  }
0xb3: {  	[dreg:$0x0] =	wrdreg $0x60  }
0xb4: {  	[dreg:$0x2] =	wrdreg s24  }
0xb5: {  	[dreg:$0x3] =	wrdreg s15  }
0xb6: {  	[dreg:$0x4] =	wrdreg s16  }
0xb7: {  	[dreg:$0x5] =	wrdreg $0x9  }
0xb8: {  	_ =	task.clear_ibuf [dreg:s8], $0x6FFFF;
	_ =	strace $0x90000046  }
0xb9: {  	s29 =	simm.s32 $0x9;
	_ =	strace $0x80000048  }
0xba: {  	_ =	swait.ge [sflag:s29], $0x1  }
0xbb: {  	[sflag:s29] =	ssyncadd.s32 $0xFFFFFFFF  }
0xbc: {  	_ =	strace $0x90000048  }
0xbd: {  	_ =	sfence  }
0xbe: {  	s30 =	sld [smem:$0x0];
	_ =	sdelay $0x2  }
0xbf: {  	s31 =	sshll.u32 s1, $0xD;
	s1 =	sshrl.u32 s1, $0x2  }
0xc0: {  	s3 =	sand.u32 $0x4000, s31;
	s1 =	sadd.s32 s1, s30  }
0xc1: {  	s0 =	sor.u32 s3, s0;
	s1 =	sshll.u32 s1, $0x11  }
0xc2: {  	s0 =	sor.u32 s1, s0  }
0xc3: {  	s0 =	sadd.s32 $0x8F2B, s0  }
0xc4: {  	[sflag:s0] =	ssyncadd.remote.s32 $0x1  }
0xc5: {  	_ =	sfence.sel $0xFFFF  }
0xc6: {  	[dreg:$0x0] =	wrdreg $0xFFFFFFFF;
	(pc) =	sbr.abs _section_cstart, $3  }
0xc7: {  	[dreg:$0x1] =	wrdreg $0xFFFFFFFF  }
0xc8: {  	_ =	task.clear_ibuf [dreg:s8], $0x2FFFF;
	_ =	strace $0x9FFFFFFF  }
0xc9: {  	(tm) =	ssettm $0x7FFFFFFF  }
tec
execute0_lowered:
.L_overlay_start_1:
0x0: {  	(tag) =	ssettag $0x1  }
0x1: {  	s0 =	rddreg [dreg:$0x0];
	s1 =	srdreg.scid  }
0x2: {  	s2 =	rddreg [dreg:$0x1];
	s3 =	stileid.u32  }
0x3: {  	s4 =	rddreg [dreg:$0x2];
	s15 =	simm.s32 $0x3;
	s16 =	simm.s32 $0x2  }
0x4: {  	s17 =	simm.s32 $0x4;
	s19 =	simm.s32 $0x1200;
	s20 =	simm.s32 $0x1A00  }
0x5: {  	s21 =	simm.s32 $0x2200;
	s22 =	simm.s32 $0x2A00;
	s28 =	simm.s32 $0x4A00  }
0x6: {  	s29 =	simm.s32 $0x5200;
	s30 =	simm.s32 $0x5A00;
	s31 =	simm.s32 $0x6200  }
0x7: {  	s8 =	simm.s32 $0x7A00;
	s14 =	simm.s32 $0x8200;
	s9 =	simm.s32 $0x8A00  }
0x8: {  	s10 =	simm.s32 $0x9200;
	s11 =	simm.s32 $0x9A00;
	s1 =	sand.u32 $0x1, s1  }
0x9: {  	s13 =	simm.s32 $0xAA00;
	s5 =	sshll.u32 s3, $0xA;
	s6 =	sshll.u32 s1, $0x9  }
0xa: {  	s7 =	simm.s32 $0xBA00;
	s3 =	simm.s32 $0x0;
	s5 =	sor.u32 s6, s5  }
0xb: {  	[smem:$0x7FF] =	sst s3;
	s1 =	ssub.s32 $0x2, s1;
	s6 =	sshrl.u32 s5, $0x3  }
0xc: {  	_ =	strace $0x80000047;
	s5 =	sshll.u32 s5, $0x5;
	s0 =	sadd.s32 s0, s6  }
0xd: {  	s24 =	sshrl.u32 s1, $0x1;
	s4 =	sadd.s32 s4, s5;
	[dreg:$0x4] =	wrdreg s0  }
0xe: {  	s1 =	ssub.s32 s1, s24;
	s23 =	sadd.s32 $0x1000, s4;
	[dreg:$0x8] =	wrdreg s4  }
0xf: {  	s24 =	simm.s32 $0x3200;
	s25 =	sadd.s32 $0x2000, s4;
	[dreg:$0x5] =	wrdreg s23  }
0x10: {  	v2 =	vlaneseq.u32;
	s5 =	smax.u32 s1, $0x1;
	s26 =	sadd.s32 $0x3000, s4;
	[dreg:$0x6] =	wrdreg s25  }
0x11: {  	vm0 =	vmmov $0xffff;
	v1 =	vshrl.u32 v2, $0x3;
	s1 =	simm.s32 $0x6A00;
	s4 =	simm.s32 $0x1;
	[dreg:$0x7] =	wrdreg s26  }
0x12: {  	v0 =	vand.u32 $0x7, v2;
	v2 =	vor.u32 $0x8, v2;
	v1 =	vmul.u32 $0x8, v1;
	s25 =	simm.s32 $0x3A00;
	s26 =	simm.s32 $0x4200;
	s23 =	simm.s32 $0x200  }
.LBB2_1:
0x13: {  	s18 =	rddreg [dreg:$0x4];
	s0 =	simm.s32 $0x5  }
0x14: {  	[tilespmem:s3], [sflag:$0x5] =	stream.linear.gather [hbm4b:s18+s3], $0x200, $0x38;
	[tilespmem:$0x10200] =	vst v63  }
0x15: {  	_ =	swait.ge [sflag:s0], $0x200  }
0x16: {  	[sflag:s0] =	ssyncset.done $0x0  }
0x17: {  	[sflag:s0] =	ssyncadd.s32 $0xFFFFFE00  }
0x18: {  	v3 =	vld [tilespmem:$0x0];
	_ =	sdelay $0x4  }
0x19: {  	v4 =	vshll.u32 v3, $0x1  }
0x1a: {  	v3 =	vand.u32 $0x7, v3;
	v4 =	vand.u32 $0xFFFFFFF0, v4  }
0x1b: {  	v3 =	vor.u32 v3, v4  }
0x1c: {  	v4 =	vperm.xlane v3, v0;
	_ =	sdelay $0x1  }
0x1d: {  	v3 =	vperm.xlane v3, v2;
	v4 =	vadd.s32 v1, v4;
	_ =	sdelay $0x1  }
0x1e: {  	v3 =	vadd.s32 v1, v3;
	_ =	sdelay $0x1  }
0x1f: {  	s18 =	simm.s32 $0x200  }
0x20: {  	[tilespmem:s18], [sflag:$0x1] =	stream.indirect_vreg.gather [hbm4b:s2+s3], $0x80, v4, vm0, $0xb8;
	[tilespmem:$0x10200] =	vst v63  }
0x21: {  	s18 =	simm.s32 $0xA00  }
0x22: {  	[tilespmem:s18], [sflag:$0x1] =	stream.indirect_vreg.gather [hbm4b:s2+s3], $0x80, v3, vm0, $0xb8;
	[tilespmem:$0x10200] =	vst v63  }
0x23: {  	v3 =	vld [tilespmem:$0x10];
	_ =	sdelay $0x4  }
0x24: {  	v33 =	vshll.u32 v3, $0x1  }
0x25: {  	v3 =	vand.u32 $0x7, v3;
	v4 =	vand.u32 $0xFFFFFFF0, v33  }
0x26: {  	v3 =	vor.u32 v3, v4  }
0x27: {  	v4 =	vperm.xlane v3, v0;
	_ =	sdelay $0x1  }
0x28: {  	v3 =	vperm.xlane v3, v2;
	v4 =	vadd.s32 v1, v4;
	_ =	sdelay $0x1  }
0x29: {  	v3 =	vadd.s32 v1, v3;
	_ =	sdelay $0x2  }
0x2a: {  	[tilespmem:s19], [sflag:$0x1] =	stream.indirect_vreg.gather [hbm4b:s2+s3], $0x80, v4, vm0, $0xb8;
	[tilespmem:$0x10200] =	vst v63  }
0x2b: {  	_ = 	snop  }
0x2c: {  	[tilespmem:s20], [sflag:$0x1] =	stream.indirect_vreg.gather [hbm4b:s2+s3], $0x80, v3, vm0, $0xb8;
	[tilespmem:$0x10200] =	vst v63  }
0x2d: {  	v3 =	vld [tilespmem:$0x20];
	_ =	sdelay $0x4  }
0x2e: {  	v34 =	vshll.u32 v3, $0x1  }
0x2f: {  	v3 =	vand.u32 $0x7, v3;
	v4 =	vand.u32 $0xFFFFFFF0, v34  }
0x30: {  	v3 =	vor.u32 v3, v4  }
0x31: {  	v4 =	vperm.xlane v3, v0;
	_ =	sdelay $0x1  }
0x32: {  	v3 =	vperm.xlane v3, v2;
	v4 =	vadd.s32 v1, v4;
	_ =	sdelay $0x1  }
0x33: {  	v3 =	vadd.s32 v1, v3;
	_ =	sdelay $0x2  }
0x34: {  	[tilespmem:s21], [sflag:$0x1] =	stream.indirect_vreg.gather [hbm4b:s2+s3], $0x80, v4, vm0, $0xb8;
	[tilespmem:$0x10200] =	vst v63  }
0x35: {  	_ = 	snop  }
0x36: {  	[tilespmem:s22], [sflag:$0x1] =	stream.indirect_vreg.gather [hbm4b:s2+s3], $0x80, v3, vm0, $0xb8;
	[tilespmem:$0x10200] =	vst v63  }
0x37: {  	v3 =	vld [tilespmem:$0x30];
	_ =	sdelay $0x4  }
0x38: {  	v35 =	vshll.u32 v3, $0x1  }
0x39: {  	v3 =	vand.u32 $0x7, v3;
	v4 =	vand.u32 $0xFFFFFFF0, v35  }
0x3a: {  	v3 =	vor.u32 v3, v4  }
0x3b: {  	v4 =	vperm.xlane v3, v0;
	_ =	sdelay $0x1  }
0x3c: {  	v3 =	vperm.xlane v3, v2;
	v4 =	vadd.s32 v1, v4;
	_ =	sdelay $0x1  }
0x3d: {  	v3 =	vadd.s32 v1, v3;
	_ =	sdelay $0x2  }
0x3e: {  	[tilespmem:s24], [sflag:$0x1] =	stream.indirect_vreg.gather [hbm4b:s2+s3], $0x80, v4, vm0, $0xb8;
	[tilespmem:$0x10200] =	vst v63  }
0x3f: {  	_ = 	snop  }
0x40: {  	[tilespmem:s25], [sflag:$0x1] =	stream.indirect_vreg.gather [hbm4b:s2+s3], $0x80, v3, vm0, $0xb8;
	[tilespmem:$0x10200] =	vst v63  }
0x41: {  	v3 =	vld [tilespmem:$0x40];
	_ =	sdelay $0x4  }
0x42: {  	v36 =	vshll.u32 v3, $0x1  }
0x43: {  	v3 =	vand.u32 $0x7, v3;
	v4 =	vand.u32 $0xFFFFFFF0, v36  }
0x44: {  	v3 =	vor.u32 v3, v4  }
0x45: {  	v4 =	vperm.xlane v3, v0;
	_ =	sdelay $0x1  }
0x46: {  	v3 =	vperm.xlane v3, v2;
	v4 =	vadd.s32 v1, v4;
	_ =	sdelay $0x1  }
0x47: {  	v3 =	vadd.s32 v1, v3;
	_ =	sdelay $0x2  }
0x48: {  	[tilespmem:s26], [sflag:$0x1] =	stream.indirect_vreg.gather [hbm4b:s2+s3], $0x80, v4, vm0, $0xb8;
	[tilespmem:$0x10200] =	vst v63  }
0x49: {  	_ = 	snop  }
0x4a: {  	[tilespmem:s28], [sflag:$0x1] =	stream.indirect_vreg.gather [hbm4b:s2+s3], $0x80, v3, vm0, $0xb8;
	[tilespmem:$0x10200] =	vst v63  }
0x4b: {  	v3 =	vld [tilespmem:$0x50];
	_ =	sdelay $0x4  }
0x4c: {  	v37 =	vshll.u32 v3, $0x1  }
0x4d: {  	v3 =	vand.u32 $0x7, v3;
	v4 =	vand.u32 $0xFFFFFFF0, v37  }
0x4e: {  	v3 =	vor.u32 v3, v4  }
0x4f: {  	v4 =	vperm.xlane v3, v0;
	_ =	sdelay $0x1  }
0x50: {  	v3 =	vperm.xlane v3, v2;
	v4 =	vadd.s32 v1, v4;
	_ =	sdelay $0x1  }
0x51: {  	v3 =	vadd.s32 v1, v3;
	_ =	sdelay $0x2  }
0x52: {  	[tilespmem:s29], [sflag:$0x1] =	stream.indirect_vreg.gather [hbm4b:s2+s3], $0x80, v4, vm0, $0xb8;
	[tilespmem:$0x10200] =	vst v63  }
0x53: {  	_ = 	snop  }
0x54: {  	[tilespmem:s30], [sflag:$0x1] =	stream.indirect_vreg.gather [hbm4b:s2+s3], $0x80, v3, vm0, $0xb8;
	[tilespmem:$0x10200] =	vst v63  }
0x55: {  	v3 =	vld [tilespmem:$0x60];
	_ =	sdelay $0x4  }
0x56: {  	v38 =	vshll.u32 v3, $0x1  }
0x57: {  	v3 =	vand.u32 $0x7, v3;
	v4 =	vand.u32 $0xFFFFFFF0, v38  }
0x58: {  	v3 =	vor.u32 v3, v4  }
0x59: {  	v4 =	vperm.xlane v3, v0;
	_ =	sdelay $0x1  }
0x5a: {  	v3 =	vperm.xlane v3, v2;
	v4 =	vadd.s32 v1, v4;
	_ =	sdelay $0x1  }
0x5b: {  	v3 =	vadd.s32 v1, v3;
	_ =	sdelay $0x2  }
0x5c: {  	[tilespmem:s31], [sflag:$0x1] =	stream.indirect_vreg.gather [hbm4b:s2+s3], $0x80, v4, vm0, $0xb8;
	[tilespmem:$0x10200] =	vst v63  }
0x5d: {  	_ = 	snop  }
0x5e: {  	[tilespmem:s1], [sflag:$0x1] =	stream.indirect_vreg.gather [hbm4b:s2+s3], $0x80, v3, vm0, $0xb8;
	[tilespmem:$0x10200] =	vst v63  }
0x5f: {  	v3 =	vld [tilespmem:$0x70];
	_ =	sdelay $0x4  }
0x60: {  	v39 =	vshll.u32 v3, $0x1  }
0x61: {  	v3 =	vand.u32 $0x7, v3;
	v4 =	vand.u32 $0xFFFFFFF0, v39  }
0x62: {  	v3 =	vor.u32 v3, v4  }
0x63: {  	v4 =	vperm.xlane v3, v0;
	_ =	sdelay $0x1  }
0x64: {  	v3 =	vperm.xlane v3, v2;
	v4 =	vadd.s32 v1, v4;
	_ =	sdelay $0x1  }
0x65: {  	v3 =	vadd.s32 v1, v3;
	_ =	sdelay $0x1  }
0x66: {  	s0 =	simm.s32 $0x7200  }
0x67: {  	[tilespmem:s0], [sflag:$0x1] =	stream.indirect_vreg.gather [hbm4b:s2+s3], $0x80, v4, vm0, $0xb8;
	[tilespmem:$0x10200] =	vst v63  }
0x68: {  	_ = 	snop  }
0x69: {  	[tilespmem:s8], [sflag:$0x1] =	stream.indirect_vreg.gather [hbm4b:s2+s3], $0x80, v3, vm0, $0xb8;
	[tilespmem:$0x10200] =	vst v63  }
0x6a: {  	v3 =	vld [tilespmem:$0x80];
	_ =	sdelay $0x4  }
0x6b: {  	v40 =	vshll.u32 v3, $0x1  }
0x6c: {  	v3 =	vand.u32 $0x7, v3;
	v4 =	vand.u32 $0xFFFFFFF0, v40  }
0x6d: {  	v3 =	vor.u32 v3, v4  }
0x6e: {  	v4 =	vperm.xlane v3, v0;
	_ =	sdelay $0x1  }
0x6f: {  	v3 =	vperm.xlane v3, v2;
	v4 =	vadd.s32 v1, v4;
	_ =	sdelay $0x1  }
0x70: {  	v3 =	vadd.s32 v1, v3;
	_ =	sdelay $0x2  }
0x71: {  	[tilespmem:s14], [sflag:$0x2] =	stream.indirect_vreg.gather [hbm4b:s2+s3], $0x80, v4, vm0, $0xb8;
	[tilespmem:$0x10200] =	vst v63  }
0x72: {  	_ = 	snop  }
0x73: {  	[tilespmem:s9], [sflag:$0x2] =	stream.indirect_vreg.gather [hbm4b:s2+s3], $0x80, v3, vm0, $0xb8;
	[tilespmem:$0x10200] =	vst v63  }
0x74: {  	v3 =	vld [tilespmem:$0x90];
	_ =	sdelay $0x4  }
0x75: {  	v41 =	vshll.u32 v3, $0x1  }
0x76: {  	v3 =	vand.u32 $0x7, v3;
	v4 =	vand.u32 $0xFFFFFFF0, v41  }
0x77: {  	v3 =	vor.u32 v3, v4  }
0x78: {  	v4 =	vperm.xlane v3, v0;
	_ =	sdelay $0x1  }
0x79: {  	v3 =	vperm.xlane v3, v2;
	v4 =	vadd.s32 v1, v4;
	_ =	sdelay $0x1  }
0x7a: {  	v3 =	vadd.s32 v1, v3;
	_ =	sdelay $0x2  }
0x7b: {  	[tilespmem:s10], [sflag:$0x2] =	stream.indirect_vreg.gather [hbm4b:s2+s3], $0x80, v4, vm0, $0xb8;
	[tilespmem:$0x10200] =	vst v63  }
0x7c: {  	_ = 	snop  }
0x7d: {  	[tilespmem:s11], [sflag:$0x2] =	stream.indirect_vreg.gather [hbm4b:s2+s3], $0x80, v3, vm0, $0xb8;
	[tilespmem:$0x10200] =	vst v63  }
0x7e: {  	v3 =	vld [tilespmem:$0xA0];
	_ =	sdelay $0x4  }
0x7f: {  	v42 =	vshll.u32 v3, $0x1  }
0x80: {  	v3 =	vand.u32 $0x7, v3;
	v4 =	vand.u32 $0xFFFFFFF0, v42  }
0x81: {  	v3 =	vor.u32 v3, v4  }
0x82: {  	v4 =	vperm.xlane v3, v0;
	_ =	sdelay $0x1  }
0x83: {  	v3 =	vperm.xlane v3, v2;
	v4 =	vadd.s32 v1, v4;
	_ =	sdelay $0x1  }
0x84: {  	v3 =	vadd.s32 v1, v3;
	_ =	sdelay $0x1  }
0x85: {  	s6 =	simm.s32 $0xA200  }
0x86: {  	[tilespmem:s6], [sflag:$0x2] =	stream.indirect_vreg.gather [hbm4b:s2+s3], $0x80, v4, vm0, $0xb8;
	[tilespmem:$0x10200] =	vst v63  }
0x87: {  	_ = 	snop  }
0x88: {  	[tilespmem:s13], [sflag:$0x2] =	stream.indirect_vreg.gather [hbm4b:s2+s3], $0x80, v3, vm0, $0xb8;
	[tilespmem:$0x10200] =	vst v63  }
0x89: {  	v3 =	vld [tilespmem:$0xB0];
	_ =	sdelay $0x4  }
0x8a: {  	v43 =	vshll.u32 v3, $0x1  }
0x8b: {  	v3 =	vand.u32 $0x7, v3;
	v4 =	vand.u32 $0xFFFFFFF0, v43  }
0x8c: {  	v3 =	vor.u32 v3, v4  }
0x8d: {  	v4 =	vperm.xlane v3, v0;
	_ =	sdelay $0x1  }
0x8e: {  	v3 =	vperm.xlane v3, v2;
	v4 =	vadd.s32 v1, v4;
	_ =	sdelay $0x1  }
0x8f: {  	v3 =	vadd.s32 v1, v3;
	_ =	sdelay $0x1  }
0x90: {  	s6 =	simm.s32 $0xB200  }
0x91: {  	[tilespmem:s6], [sflag:$0x2] =	stream.indirect_vreg.gather [hbm4b:s2+s3], $0x80, v4, vm0, $0xb8;
	[tilespmem:$0x10200] =	vst v63  }
0x92: {  	_ = 	snop  }
0x93: {  	[tilespmem:s7], [sflag:$0x2] =	stream.indirect_vreg.gather [hbm4b:s2+s3], $0x80, v3, vm0, $0xb8;
	[tilespmem:$0x10200] =	vst v63  }
0x94: {  	v3 =	vld [tilespmem:$0xC0];
	_ =	sdelay $0x4  }
0x95: {  	v44 =	vshll.u32 v3, $0x1  }
0x96: {  	v3 =	vand.u32 $0x7, v3;
	v4 =	vand.u32 $0xFFFFFFF0, v44  }
0x97: {  	v3 =	vor.u32 v3, v4  }
0x98: {  	v4 =	vperm.xlane v3, v0;
	_ =	sdelay $0x1  }
0x99: {  	v3 =	vperm.xlane v3, v2;
	v4 =	vadd.s32 v1, v4;
	_ =	sdelay $0x1  }
0x9a: {  	v3 =	vadd.s32 v1, v3;
	_ =	sdelay $0x1  }
0x9b: {  	s12 =	simm.s32 $0xC200  }
0x9c: {  	[tilespmem:s12], [sflag:$0x2] =	stream.indirect_vreg.gather [hbm4b:s2+s3], $0x80, v4, vm0, $0xb8;
	[tilespmem:$0x10200] =	vst v63  }
0x9d: {  	s12 =	simm.s32 $0xCA00  }
0x9e: {  	[tilespmem:s12], [sflag:$0x2] =	stream.indirect_vreg.gather [hbm4b:s2+s3], $0x80, v3, vm0, $0xb8;
	[tilespmem:$0x10200] =	vst v63  }
0x9f: {  	v3 =	vld [tilespmem:$0xD0];
	_ =	sdelay $0x4  }
0xa0: {  	v45 =	vshll.u32 v3, $0x1  }
0xa1: {  	v3 =	vand.u32 $0x7, v3;
	v4 =	vand.u32 $0xFFFFFFF0, v45  }
0xa2: {  	v3 =	vor.u32 v3, v4  }
0xa3: {  	v4 =	vperm.xlane v3, v0;
	_ =	sdelay $0x1  }
0xa4: {  	v3 =	vperm.xlane v3, v2;
	v4 =	vadd.s32 v1, v4;
	_ =	sdelay $0x1  }
0xa5: {  	v3 =	vadd.s32 v1, v3;
	_ =	sdelay $0x1  }
0xa6: {  	s12 =	simm.s32 $0xD200  }
0xa7: {  	[tilespmem:s12], [sflag:$0x2] =	stream.indirect_vreg.gather [hbm4b:s2+s3], $0x80, v4, vm0, $0xb8;
	[tilespmem:$0x10200] =	vst v63  }
0xa8: {  	s12 =	simm.s32 $0xDA00  }
0xa9: {  	[tilespmem:s12], [sflag:$0x2] =	stream.indirect_vreg.gather [hbm4b:s2+s3], $0x80, v3, vm0, $0xb8;
	[tilespmem:$0x10200] =	vst v63  }
0xaa: {  	v3 =	vld [tilespmem:$0xE0];
	_ =	sdelay $0x4  }
0xab: {  	v46 =	vshll.u32 v3, $0x1  }
0xac: {  	v3 =	vand.u32 $0x7, v3;
	v4 =	vand.u32 $0xFFFFFFF0, v46  }
0xad: {  	v3 =	vor.u32 v3, v4  }
0xae: {  	v4 =	vperm.xlane v3, v0;
	_ =	sdelay $0x1  }
0xaf: {  	v3 =	vperm.xlane v3, v2;
	v4 =	vadd.s32 v1, v4;
	_ =	sdelay $0x1  }
0xb0: {  	v3 =	vadd.s32 v1, v3;
	_ =	sdelay $0x1  }
0xb1: {  	s12 =	simm.s32 $0xE200  }
0xb2: {  	[tilespmem:s12], [sflag:$0x2] =	stream.indirect_vreg.gather [hbm4b:s2+s3], $0x80, v4, vm0, $0xb8;
	[tilespmem:$0x10200] =	vst v63  }
0xb3: {  	s12 =	simm.s32 $0xEA00  }
0xb4: {  	[tilespmem:s12], [sflag:$0x2] =	stream.indirect_vreg.gather [hbm4b:s2+s3], $0x80, v3, vm0, $0xb8;
	[tilespmem:$0x10200] =	vst v63  }
0xb5: {  	v3 =	vld [tilespmem:$0xF0];
	_ =	sdelay $0x4  }
0xb6: {  	v47 =	vshll.u32 v3, $0x1  }
0xb7: {  	v3 =	vand.u32 $0x7, v3;
	v4 =	vand.u32 $0xFFFFFFF0, v47  }
0xb8: {  	v3 =	vor.u32 v3, v4  }
0xb9: {  	v4 =	vperm.xlane v3, v0;
	_ =	sdelay $0x1  }
0xba: {  	v3 =	vperm.xlane v3, v2;
	v4 =	vadd.s32 v1, v4;
	_ =	sdelay $0x1  }
0xbb: {  	v3 =	vadd.s32 v1, v3;
	_ =	sdelay $0x1  }
0xbc: {  	s12 =	simm.s32 $0xF200  }
0xbd: {  	[tilespmem:s12], [sflag:$0x2] =	stream.indirect_vreg.gather [hbm4b:s2+s3], $0x80, v4, vm0, $0xb8;
	[tilespmem:$0x10200] =	vst v63  }
0xbe: {  	s12 =	simm.s32 $0xFA00  }
0xbf: {  	[tilespmem:s12], [sflag:$0x2] =	stream.indirect_vreg.gather [hbm4b:s2+s3], $0x80, v3, vm0, $0xb8;
	[tilespmem:$0x10200] =	vst v63  }
0xc0: {  	_ =	swait.ge [sflag:s4], $0x8000  }
0xc1: {  	[sflag:s4] =	ssyncset.done $0x0  }
0xc2: {  	s12 =	rddreg [dreg:$0x8];
	[sflag:s4] =	ssyncadd.s32 $0xFFFF8000  }
0xc3: {  	[hbm4b:s12+s3] =	stream.linear.scatter [tilespmem:s23], [sflag:$0x3], $0x8000, $0x38;
	[tilespmem:$0x10200] =	vst v63  }
0xc4: {  	_ =	swait.ge [sflag:s15], $0x8000  }
0xc5: {  	[sflag:s15] =	ssyncset.done $0x0  }
0xc6: {  	[sflag:s15] =	ssyncadd.s32 $0xFFFF8000  }
0xc7: {  	v3 =	vld [tilespmem:$0x100];
	_ =	sdelay $0x4  }
0xc8: {  	v48 =	vshll.u32 v3, $0x1  }
0xc9: {  	v3 =	vand.u32 $0x7, v3;
	v4 =	vand.u32 $0xFFFFFFF0, v48  }
0xca: {  	v3 =	vor.u32 v3, v4  }
0xcb: {  	v4 =	vperm.xlane v3, v0;
	_ =	sdelay $0x1  }
0xcc: {  	v3 =	vperm.xlane v3, v2;
	v4 =	vadd.s32 v1, v4;
	_ =	sdelay $0x1  }
0xcd: {  	v3 =	vadd.s32 v1, v3;
	_ =	sdelay $0x2  }
0xce: {  	[tilespmem:s23], [sflag:$0x1] =	stream.indirect_vreg.gather [hbm4b:s2+s3], $0x80, v4, vm0, $0xb8;
	[tilespmem:$0x10200] =	vst v63  }
0xcf: {  	_ = 	snop  }
0xd0: {  	[tilespmem:s18], [sflag:$0x1] =	stream.indirect_vreg.gather [hbm4b:s2+s3], $0x80, v3, vm0, $0xb8;
	[tilespmem:$0x10200] =	vst v63  }
0xd1: {  	v3 =	vld [tilespmem:$0x110];
	_ =	sdelay $0x4  }
0xd2: {  	v49 =	vshll.u32 v3, $0x1  }
0xd3: {  	v3 =	vand.u32 $0x7, v3;
	v4 =	vand.u32 $0xFFFFFFF0, v49  }
0xd4: {  	v3 =	vor.u32 v3, v4  }
0xd5: {  	v4 =	vperm.xlane v3, v0;
	_ =	sdelay $0x1  }
0xd6: {  	v3 =	vperm.xlane v3, v2;
	v4 =	vadd.s32 v1, v4;
	_ =	sdelay $0x1  }
0xd7: {  	v3 =	vadd.s32 v1, v3;
	_ =	sdelay $0x2  }
0xd8: {  	[tilespmem:s19], [sflag:$0x1] =	stream.indirect_vreg.gather [hbm4b:s2+s3], $0x80, v4, vm0, $0xb8;
	[tilespmem:$0x10200] =	vst v63  }
0xd9: {  	_ = 	snop  }
0xda: {  	[tilespmem:s20], [sflag:$0x1] =	stream.indirect_vreg.gather [hbm4b:s2+s3], $0x80, v3, vm0, $0xb8;
	[tilespmem:$0x10200] =	vst v63  }
0xdb: {  	v3 =	vld [tilespmem:$0x120];
	_ =	sdelay $0x4  }
0xdc: {  	v50 =	vshll.u32 v3, $0x1  }
0xdd: {  	v3 =	vand.u32 $0x7, v3;
	v4 =	vand.u32 $0xFFFFFFF0, v50  }
0xde: {  	v3 =	vor.u32 v3, v4  }
0xdf: {  	v4 =	vperm.xlane v3, v0;
	_ =	sdelay $0x1  }
0xe0: {  	v3 =	vperm.xlane v3, v2;
	v4 =	vadd.s32 v1, v4;
	_ =	sdelay $0x1  }
0xe1: {  	v3 =	vadd.s32 v1, v3;
	_ =	sdelay $0x2  }
0xe2: {  	[tilespmem:s21], [sflag:$0x1] =	stream.indirect_vreg.gather [hbm4b:s2+s3], $0x80, v4, vm0, $0xb8;
	[tilespmem:$0x10200] =	vst v63  }
0xe3: {  	_ = 	snop  }
0xe4: {  	[tilespmem:s22], [sflag:$0x1] =	stream.indirect_vreg.gather [hbm4b:s2+s3], $0x80, v3, vm0, $0xb8;
	[tilespmem:$0x10200] =	vst v63  }
0xe5: {  	v3 =	vld [tilespmem:$0x130];
	_ =	sdelay $0x4  }
0xe6: {  	v51 =	vshll.u32 v3, $0x1  }
0xe7: {  	v3 =	vand.u32 $0x7, v3;
	v4 =	vand.u32 $0xFFFFFFF0, v51  }
0xe8: {  	v3 =	vor.u32 v3, v4  }
0xe9: {  	v4 =	vperm.xlane v3, v0;
	_ =	sdelay $0x1  }
0xea: {  	v3 =	vperm.xlane v3, v2;
	v4 =	vadd.s32 v1, v4;
	_ =	sdelay $0x1  }
0xeb: {  	v3 =	vadd.s32 v1, v3;
	_ =	sdelay $0x2  }
0xec: {  	[tilespmem:s24], [sflag:$0x1] =	stream.indirect_vreg.gather [hbm4b:s2+s3], $0x80, v4, vm0, $0xb8;
	[tilespmem:$0x10200] =	vst v63  }
0xed: {  	_ = 	snop  }
0xee: {  	[tilespmem:s25], [sflag:$0x1] =	stream.indirect_vreg.gather [hbm4b:s2+s3], $0x80, v3, vm0, $0xb8;
	[tilespmem:$0x10200] =	vst v63  }
0xef: {  	v3 =	vld [tilespmem:$0x140];
	_ =	sdelay $0x4  }
0xf0: {  	v52 =	vshll.u32 v3, $0x1  }
0xf1: {  	v3 =	vand.u32 $0x7, v3;
	v4 =	vand.u32 $0xFFFFFFF0, v52  }
0xf2: {  	v3 =	vor.u32 v3, v4  }
0xf3: {  	v4 =	vperm.xlane v3, v0;
	_ =	sdelay $0x1  }
0xf4: {  	v3 =	vperm.xlane v3, v2;
	v4 =	vadd.s32 v1, v4;
	_ =	sdelay $0x1  }
0xf5: {  	v3 =	vadd.s32 v1, v3;
	_ =	sdelay $0x2  }
0xf6: {  	[tilespmem:s26], [sflag:$0x1] =	stream.indirect_vreg.gather [hbm4b:s2+s3], $0x80, v4, vm0, $0xb8;
	[tilespmem:$0x10200] =	vst v63  }
0xf7: {  	_ = 	snop  }
0xf8: {  	[tilespmem:s28], [sflag:$0x1] =	stream.indirect_vreg.gather [hbm4b:s2+s3], $0x80, v3, vm0, $0xb8;
	[tilespmem:$0x10200] =	vst v63  }
0xf9: {  	v3 =	vld [tilespmem:$0x150];
	_ =	sdelay $0x4  }
0xfa: {  	v53 =	vshll.u32 v3, $0x1  }
0xfb: {  	v3 =	vand.u32 $0x7, v3;
	v4 =	vand.u32 $0xFFFFFFF0, v53  }
0xfc: {  	v3 =	vor.u32 v3, v4  }
0xfd: {  	v4 =	vperm.xlane v3, v0;
	_ =	sdelay $0x1  }
0xfe: {  	v3 =	vperm.xlane v3, v2;
	v4 =	vadd.s32 v1, v4;
	_ =	sdelay $0x1  }
0xff: {  	v3 =	vadd.s32 v1, v3;
	_ =	sdelay $0x2  }
0x100: {  	[tilespmem:s29], [sflag:$0x1] =	stream.indirect_vreg.gather [hbm4b:s2+s3], $0x80, v4, vm0, $0xb8;
	[tilespmem:$0x10200] =	vst v63  }
0x101: {  	_ = 	snop  }
0x102: {  	[tilespmem:s30], [sflag:$0x1] =	stream.indirect_vreg.gather [hbm4b:s2+s3], $0x80, v3, vm0, $0xb8;
	[tilespmem:$0x10200] =	vst v63  }
0x103: {  	v3 =	vld [tilespmem:$0x160];
	_ =	sdelay $0x4  }
0x104: {  	v54 =	vshll.u32 v3, $0x1  }
0x105: {  	v3 =	vand.u32 $0x7, v3;
	v4 =	vand.u32 $0xFFFFFFF0, v54  }
0x106: {  	v3 =	vor.u32 v3, v4  }
0x107: {  	v4 =	vperm.xlane v3, v0;
	_ =	sdelay $0x1  }
0x108: {  	v3 =	vperm.xlane v3, v2;
	v4 =	vadd.s32 v1, v4;
	_ =	sdelay $0x1  }
0x109: {  	v3 =	vadd.s32 v1, v3;
	_ =	sdelay $0x2  }
0x10a: {  	[tilespmem:s31], [sflag:$0x1] =	stream.indirect_vreg.gather [hbm4b:s2+s3], $0x80, v4, vm0, $0xb8;
	[tilespmem:$0x10200] =	vst v63  }
0x10b: {  	_ = 	snop  }
0x10c: {  	[tilespmem:s1], [sflag:$0x1] =	stream.indirect_vreg.gather [hbm4b:s2+s3], $0x80, v3, vm0, $0xb8;
	[tilespmem:$0x10200] =	vst v63  }
0x10d: {  	v3 =	vld [tilespmem:$0x170];
	_ =	sdelay $0x4  }
0x10e: {  	v55 =	vshll.u32 v3, $0x1  }
0x10f: {  	v3 =	vand.u32 $0x7, v3;
	v4 =	vand.u32 $0xFFFFFFF0, v55  }
0x110: {  	v3 =	vor.u32 v3, v4  }
0x111: {  	v4 =	vperm.xlane v3, v0;
	_ =	sdelay $0x1  }
0x112: {  	v3 =	vperm.xlane v3, v2;
	v4 =	vadd.s32 v1, v4;
	_ =	sdelay $0x1  }
0x113: {  	v3 =	vadd.s32 v1, v3;
	_ =	sdelay $0x2  }
0x114: {  	[tilespmem:s0], [sflag:$0x1] =	stream.indirect_vreg.gather [hbm4b:s2+s3], $0x80, v4, vm0, $0xb8;
	[tilespmem:$0x10200] =	vst v63  }
0x115: {  	_ = 	snop  }
0x116: {  	[tilespmem:s8], [sflag:$0x1] =	stream.indirect_vreg.gather [hbm4b:s2+s3], $0x80, v3, vm0, $0xb8;
	[tilespmem:$0x10200] =	vst v63  }
0x117: {  	_ =	swait.ge [sflag:s16], $0x8000  }
0x118: {  	[sflag:s16] =	ssyncset.done $0x0  }
0x119: {  	s0 =	rddreg [dreg:$0x5];
	[sflag:s16] =	ssyncadd.s32 $0xFFFF8000  }
0x11a: {  	[hbm4b:s0+s3] =	stream.linear.scatter [tilespmem:s14], [sflag:$0x4], $0x8000, $0x38;
	[tilespmem:$0x10200] =	vst v63  }
0x11b: {  	_ =	swait.ge [sflag:s17], $0x8000  }
0x11c: {  	[sflag:s17] =	ssyncset.done $0x0  }
0x11d: {  	[sflag:s17] =	ssyncadd.s32 $0xFFFF8000  }
0x11e: {  	v3 =	vld [tilespmem:$0x180];
	_ =	sdelay $0x4  }
0x11f: {  	v56 =	vshll.u32 v3, $0x1  }
0x120: {  	v3 =	vand.u32 $0x7, v3;
	v4 =	vand.u32 $0xFFFFFFF0, v56  }
0x121: {  	v3 =	vor.u32 v3, v4  }
0x122: {  	v4 =	vperm.xlane v3, v0;
	_ =	sdelay $0x1  }
0x123: {  	v3 =	vperm.xlane v3, v2;
	v4 =	vadd.s32 v1, v4;
	_ =	sdelay $0x1  }
0x124: {  	v3 =	vadd.s32 v1, v3;
	_ =	sdelay $0x2  }
0x125: {  	[tilespmem:s14], [sflag:$0x2] =	stream.indirect_vreg.gather [hbm4b:s2+s3], $0x80, v4, vm0, $0xb8;
	[tilespmem:$0x10200] =	vst v63  }
0x126: {  	_ = 	snop  }
0x127: {  	[tilespmem:s9], [sflag:$0x2] =	stream.indirect_vreg.gather [hbm4b:s2+s3], $0x80, v3, vm0, $0xb8;
	[tilespmem:$0x10200] =	vst v63  }
0x128: {  	v3 =	vld [tilespmem:$0x190];
	_ =	sdelay $0x4  }
0x129: {  	v57 =	vshll.u32 v3, $0x1  }
0x12a: {  	v3 =	vand.u32 $0x7, v3;
	v4 =	vand.u32 $0xFFFFFFF0, v57  }
0x12b: {  	v3 =	vor.u32 v3, v4  }
0x12c: {  	v4 =	vperm.xlane v3, v0;
	_ =	sdelay $0x1  }
0x12d: {  	v3 =	vperm.xlane v3, v2;
	v4 =	vadd.s32 v1, v4;
	_ =	sdelay $0x1  }
0x12e: {  	v3 =	vadd.s32 v1, v3;
	_ =	sdelay $0x2  }
0x12f: {  	[tilespmem:s10], [sflag:$0x2] =	stream.indirect_vreg.gather [hbm4b:s2+s3], $0x80, v4, vm0, $0xb8;
	[tilespmem:$0x10200] =	vst v63  }
0x130: {  	_ = 	snop  }
0x131: {  	[tilespmem:s11], [sflag:$0x2] =	stream.indirect_vreg.gather [hbm4b:s2+s3], $0x80, v3, vm0, $0xb8;
	[tilespmem:$0x10200] =	vst v63  }
0x132: {  	v3 =	vld [tilespmem:$0x1A0];
	_ =	sdelay $0x4  }
0x133: {  	v58 =	vshll.u32 v3, $0x1  }
0x134: {  	v3 =	vand.u32 $0x7, v3;
	v4 =	vand.u32 $0xFFFFFFF0, v58  }
0x135: {  	v3 =	vor.u32 v3, v4  }
0x136: {  	v4 =	vperm.xlane v3, v0;
	_ =	sdelay $0x1  }
0x137: {  	v3 =	vperm.xlane v3, v2;
	v4 =	vadd.s32 v1, v4;
	_ =	sdelay $0x1  }
0x138: {  	v3 =	vadd.s32 v1, v3;
	_ =	sdelay $0x1  }
0x139: {  	s18 =	simm.s32 $0xA200  }
0x13a: {  	[tilespmem:s18], [sflag:$0x2] =	stream.indirect_vreg.gather [hbm4b:s2+s3], $0x80, v4, vm0, $0xb8;
	[tilespmem:$0x10200] =	vst v63  }
0x13b: {  	_ = 	snop  }
0x13c: {  	[tilespmem:s13], [sflag:$0x2] =	stream.indirect_vreg.gather [hbm4b:s2+s3], $0x80, v3, vm0, $0xb8;
	[tilespmem:$0x10200] =	vst v63  }
0x13d: {  	v3 =	vld [tilespmem:$0x1B0];
	_ =	sdelay $0x4  }
0x13e: {  	v59 =	vshll.u32 v3, $0x1  }
0x13f: {  	v3 =	vand.u32 $0x7, v3;
	v4 =	vand.u32 $0xFFFFFFF0, v59  }
0x140: {  	v3 =	vor.u32 v3, v4  }
0x141: {  	v4 =	vperm.xlane v3, v0;
	_ =	sdelay $0x1  }
0x142: {  	v3 =	vperm.xlane v3, v2;
	v4 =	vadd.s32 v1, v4;
	_ =	sdelay $0x1  }
0x143: {  	v3 =	vadd.s32 v1, v3;
	_ =	sdelay $0x2  }
0x144: {  	[tilespmem:s6], [sflag:$0x2] =	stream.indirect_vreg.gather [hbm4b:s2+s3], $0x80, v4, vm0, $0xb8;
	[tilespmem:$0x10200] =	vst v63  }
0x145: {  	_ = 	snop  }
0x146: {  	[tilespmem:s7], [sflag:$0x2] =	stream.indirect_vreg.gather [hbm4b:s2+s3], $0x80, v3, vm0, $0xb8;
	[tilespmem:$0x10200] =	vst v63  }
0x147: {  	v3 =	vld [tilespmem:$0x1C0];
	_ =	sdelay $0x4  }
0x148: {  	v60 =	vshll.u32 v3, $0x1  }
0x149: {  	v3 =	vand.u32 $0x7, v3;
	v4 =	vand.u32 $0xFFFFFFF0, v60  }
0x14a: {  	v3 =	vor.u32 v3, v4  }
0x14b: {  	v4 =	vperm.xlane v3, v0;
	_ =	sdelay $0x1  }
0x14c: {  	v3 =	vperm.xlane v3, v2;
	v4 =	vadd.s32 v1, v4;
	_ =	sdelay $0x1  }
0x14d: {  	v3 =	vadd.s32 v1, v3;
	_ =	sdelay $0x1  }
0x14e: {  	s6 =	simm.s32 $0xC200  }
0x14f: {  	[tilespmem:s6], [sflag:$0x2] =	stream.indirect_vreg.gather [hbm4b:s2+s3], $0x80, v4, vm0, $0xb8;
	[tilespmem:$0x10200] =	vst v63  }
0x150: {  	s18 =	simm.s32 $0xCA00  }
0x151: {  	[tilespmem:s18], [sflag:$0x2] =	stream.indirect_vreg.gather [hbm4b:s2+s3], $0x80, v3, vm0, $0xb8;
	[tilespmem:$0x10200] =	vst v63  }
0x152: {  	v3 =	vld [tilespmem:$0x1D0];
	_ =	sdelay $0x4  }
0x153: {  	v61 =	vshll.u32 v3, $0x1  }
0x154: {  	v3 =	vand.u32 $0x7, v3;
	v4 =	vand.u32 $0xFFFFFFF0, v61  }
0x155: {  	v3 =	vor.u32 v3, v4  }
0x156: {  	v4 =	vperm.xlane v3, v0;
	_ =	sdelay $0x1  }
0x157: {  	v3 =	vperm.xlane v3, v2;
	v4 =	vadd.s32 v1, v4;
	_ =	sdelay $0x1  }
0x158: {  	v3 =	vadd.s32 v1, v3;
	_ =	sdelay $0x1  }
0x159: {  	s6 =	simm.s32 $0xD200  }
0x15a: {  	[tilespmem:s6], [sflag:$0x2] =	stream.indirect_vreg.gather [hbm4b:s2+s3], $0x80, v4, vm0, $0xb8;
	[tilespmem:$0x10200] =	vst v63  }
0x15b: {  	s18 =	simm.s32 $0xDA00  }
0x15c: {  	[tilespmem:s18], [sflag:$0x2] =	stream.indirect_vreg.gather [hbm4b:s2+s3], $0x80, v3, vm0, $0xb8;
	[tilespmem:$0x10200] =	vst v63  }
0x15d: {  	v3 =	vld [tilespmem:$0x1E0];
	_ =	sdelay $0x4  }
0x15e: {  	v62 =	vshll.u32 v3, $0x1  }
0x15f: {  	v3 =	vand.u32 $0x7, v3;
	v4 =	vand.u32 $0xFFFFFFF0, v62  }
0x160: {  	v3 =	vor.u32 v3, v4  }
0x161: {  	v4 =	vperm.xlane v3, v0;
	_ =	sdelay $0x1  }
0x162: {  	v3 =	vperm.xlane v3, v2;
	v4 =	vadd.s32 v1, v4;
	_ =	sdelay $0x1  }
0x163: {  	v3 =	vadd.s32 v1, v3;
	_ =	sdelay $0x1  }
0x164: {  	s6 =	simm.s32 $0xE200  }
0x165: {  	[tilespmem:s6], [sflag:$0x2] =	stream.indirect_vreg.gather [hbm4b:s2+s3], $0x80, v4, vm0, $0xb8;
	[tilespmem:$0x10200] =	vst v63  }
0x166: {  	s18 =	simm.s32 $0xEA00  }
0x167: {  	[tilespmem:s18], [sflag:$0x2] =	stream.indirect_vreg.gather [hbm4b:s2+s3], $0x80, v3, vm0, $0xb8;
	[tilespmem:$0x10200] =	vst v63  }
0x168: {  	v3 =	vld [tilespmem:$0x1F0];
	_ =	sdelay $0x4  }
0x169: {  	v63 =	vshll.u32 v3, $0x1  }
0x16a: {  	v3 =	vand.u32 $0x7, v3;
	v4 =	vand.u32 $0xFFFFFFF0, v63  }
0x16b: {  	v3 =	vor.u32 v3, v4  }
0x16c: {  	v4 =	vperm.xlane v3, v0;
	_ =	sdelay $0x1  }
0x16d: {  	v3 =	vperm.xlane v3, v2;
	v4 =	vadd.s32 v1, v4;
	_ =	sdelay $0x1  }
0x16e: {  	v3 =	vadd.s32 v1, v3;
	_ =	sdelay $0x1  }
0x16f: {  	s6 =	simm.s32 $0xF200  }
0x170: {  	[tilespmem:s6], [sflag:$0x2] =	stream.indirect_vreg.gather [hbm4b:s2+s3], $0x80, v4, vm0, $0xb8;
	[tilespmem:$0x10200] =	vst v63  }
0x171: {  	s18 =	simm.s32 $0xFA00  }
0x172: {  	[tilespmem:s18], [sflag:$0x2] =	stream.indirect_vreg.gather [hbm4b:s2+s3], $0x80, v3, vm0, $0xb8;
	[tilespmem:$0x10200] =	vst v63  }
0x173: {  	_ =	swait.ge [sflag:s4], $0x8000  }
0x174: {  	[sflag:s4] =	ssyncset.done $0x0  }
0x175: {  	s12 =	simm.s32 $0x200;
	s6 =	rddreg [dreg:$0x6];
	[sflag:s4] =	ssyncadd.s32 $0xFFFF8000  }
0x176: {  	[hbm4b:s6+s3] =	stream.linear.scatter [tilespmem:s12], [sflag:$0x3], $0x8000, $0x38;
	[tilespmem:$0x10200] =	vst v63  }
0x177: {  	_ =	swait.ge [sflag:s16], $0x8000  }
0x178: {  	[sflag:s16] =	ssyncset.done $0x0  }
0x179: {  	s12 =	rddreg [dreg:$0x7];
	[sflag:s16] =	ssyncadd.s32 $0xFFFF8000  }
0x17a: {  	[hbm4b:s12+s3] =	stream.linear.scatter [tilespmem:s14], [sflag:$0x4], $0x8000, $0x38;
	[tilespmem:$0x10200] =	vst v63  }
0x17b: {  	p0 =	sne.s32 s5, $0x1;
	_ =	swait.ge [sflag:s15], $0x8000  }
.Ltmp0:
0x17c: {  	[sflag:s15] =	ssyncset.done $0x0;
	(pc) =	sbr.rel @p0 .LBB2_1-.Ltmp0, $4  }
0x17d: {  	[sflag:s15] =	ssyncadd.s32 $0xFFFF8000  }
0x17e: {  	_ =	swait.ge [sflag:s17], $0x8000  }
0x17f: {  	[sflag:s17] =	ssyncset.done $0x0  }
0x180: {  	s5 =	sadd.s32 $0xFFFFFFFF, s5;
	[sflag:s17] =	ssyncadd.s32 $0xFFFF8000  }
0x181: {  	_ =	sfence.sel $0x180000  }
0x182: {  	[bflag:$0x0] =	sbarrier.arrive $0xFFFF  }
0x183: {  	_ =	strace $0x90000047  }
0x184: {  	s0 =	stileid.u32;
	[bflag:$0x2] =	sbarrier.arrive $0xFFFF  }
0x185: {  	p0 =	sne.s32 s0, $0x0;
	s0 =	rddreg [dreg:$0x3]  }
0x186: {  	s0 =	sadd.s32 @!p0 $0x100000, s0  }
0x187: {  	[sflag:s0] =	ssyncadd.tile.s32 @!p0 $0x1;
	_ =	shalt  }
.Lfunc_end2:
_tile_overlayer_lowered:
.L_overlay_start_2:
0x188: {  	(tag) =	ssettag $0x2  }
0x189: {  	s0 =	rddreg [dreg:$0x0];
	s2 =	stileid.u32  }
0x18a: {  	s1 =	rddreg [dreg:$0x1];
	p0 =	sne.s32 s2, $0x0  }
0x18b: {  	s3 =	rddreg [dreg:$0x2];
	[bflag:$0x3] =	sbarrier.arrive $0xFFFF;
	s2 =	simm.s32 @!p0 $0x1C05  }
0x18c: {  	[timem:s3], [sflag:s2] =	dma.local @!p0 [hbm:s0], s1  }
0x18d: {  	s0 =	simm.s32 @!p0 $0x5  }
0x18e: {  	_ =	swait.ge @!p0 [sflag:s0], s1  }
0x18f: {  	s1 =	ssub.s32 @!p0 $0x0, s1;
	[sflag:s0] =	ssyncset.done @!p0 $0x0  }
0x190: {  	[sflag:s0] =	ssyncadd.s32 @!p0 s1  }
0x191: {  	[bflag:$0x3] =	sbarrier.arrive $0xFFFF  }
0x192: {  	_ =	shalt  }

</sc_bundles>
